<compile_context>
chip_gen: v7x
topology: tpu7x:2x2x1
jax: 0.10.2.dev20260603
libtpu: 0.0.44.dev20260713+nightly
codegen_flags: <defaults>
</compile_context>

<pallas_src>
import jax
import jax.numpy as jnp
from jax import lax
from jax.experimental import pallas as pl
from jax.experimental.pallas import tpu as pltpu
from jax.experimental.pallas import tpu_sc as plsc

NC = 2
NS = 16
NW = NC * NS
CH = 128
DUM = 2048


def _seg_sum_sc(table, src, dst, n, d):
    e = src.shape[0]
    h = n // NC
    epw = e // NS
    nfull = epw // CH
    tail = epw - nfull * CH
    zr = -(-(h + DUM) // (NS * 8)) * 8
    hp = zr * NS
    big = -(-h // NS) // 8 * 8
    while big * (NS - 1) > h:
        big -= 8
    rem = h - big * (NS - 1)
    assert tail % 16 == 0 and rem > 0 and (d * big) % 8 == 0 and (d * rem) % 8 == 0

    zeros = jnp.zeros((zr, d), jnp.float32)

    mesh = plsc.VectorSubcoreMesh(core_axis_name="c", subcore_axis_name="s",
                                  num_cores=NC, num_subcores=NS)

    def body(z_hbm, table_hbm, src_hbm, dst_hbm, out_hbm,
             idx_v, dst_v, rows_v, idx_t, dst_t, rows_t, acc, sem):
        c = lax.axis_index("c")
        s = lax.axis_index("s")
        base_node = c * h

        pltpu.sync_copy(z_hbm, acc.at[pl.ds(s * zr, zr)])
        plsc.subcore_barrier()

        ebase = s * epw

        def remap(dstr, nb):
            for k in range(nb // 16):
                dd = dstr[pl.ds(k * 16, 16)]
                inr = (dd >= base_node) & (dd < base_node + h)
                dl = jnp.where(inr, dd - base_node, h + (dd & (DUM - 1)))
                dstr[pl.ds(k * 16, 16)] = dl

        def chunk(off, nb, idxr, dstr, rowsr):
            off = pl.multiple_of(off, 8)
            pltpu.sync_copy(src_hbm.at[pl.ds(off, nb)], idxr)
            pltpu.sync_copy(dst_hbm.at[pl.ds(off, nb)], dstr)
            remap(dstr, nb)
            pltpu.async_copy(table_hbm.at[idxr], rowsr, sem).wait()
            pltpu.sync_copy(rowsr, acc.at[dstr], add=True)

        def loop_body(i, carry):
            chunk(ebase + i * CH, CH, idx_v, dst_v, rows_v)
            return carry

        lax.fori_loop(0, nfull, loop_body, 0)
        if tail:
            chunk(ebase + nfull * CH, tail, idx_t, dst_t, rows_t)

        plsc.subcore_barrier()
        plsc.subcore_barrier()
        plsc.subcore_barrier()

        @pl.when(s < NS - 1)
        def _():
            o = pl.multiple_of(s * big, 8)
            pltpu.sync_copy(acc.at[pl.ds(o, big)],
                            out_hbm.at[pl.ds(base_node + o, big)])

        @pl.when(s == NS - 1)
        def _():
            o = (NS - 1) * big
            pltpu.sync_copy(acc.at[pl.ds(o, rem)],
                            out_hbm.at[pl.ds(base_node + o, rem)])

    kern = pl.kernel(
        body,
        out_type=jax.ShapeDtypeStruct((n, d), jnp.float32),
        mesh=mesh,
        compiler_params=pltpu.CompilerParams(use_tc_tiling_on_sc=False,
                                             has_side_effects=True),
        scratch_types=[
            pltpu.VMEM((CH,), jnp.int32),
            pltpu.VMEM((CH,), jnp.int32),
            pltpu.VMEM((CH, d), jnp.float32),
            pltpu.VMEM((max(tail, 16),), jnp.int32),
            pltpu.VMEM((max(tail, 16),), jnp.int32),
            pltpu.VMEM((max(tail, 16), d), jnp.float32),
            pltpu.VMEM_SHARED((hp, d), jnp.float32),
            pltpu.SemaphoreType.DMA,
        ],
    )
    return kern(zeros, table, src, dst)


def _dense1(feat, agg1, W_rel1, b_rel1, W_root1, W_rel2, b_rel2, W_root2, blk):
    n = feat.shape[0]
    grid = n // blk

    def body(feat_ref, agg_ref, wr1, br1, wo1, wr2, br2, wo2, g_ref, hr_ref):
        x = feat_ref[...]
        a = agg_ref[...]
        hcur = jnp.maximum(a * wr1[...] + x * wo1[...] + br1[...], 0.0)
        g_ref[...] = jnp.dot(hcur, wr2[...], preferred_element_type=jnp.float32)
        hr_ref[...] = jnp.dot(hcur, wo2[...], preferred_element_type=jnp.float32) + br2[...]

    full = lambda shape: pl.BlockSpec(shape, lambda i: (0, 0))
    return pl.pallas_call(
        body,
        grid=(grid,),
        in_specs=[
            pl.BlockSpec((blk, 1), lambda i: (i, 0)),
            pl.BlockSpec((blk, 1), lambda i: (i, 0)),
            full((1, 64)), full((1, 64)), full((1, 64)),
            full((64, 32)), full((1, 32)), full((64, 32)),
        ],
        out_specs=[pl.BlockSpec((blk, 32), lambda i: (i, 0)),
                   pl.BlockSpec((blk, 32), lambda i: (i, 0))],
        out_shape=[jax.ShapeDtypeStruct((n, 32), jnp.float32),
                   jax.ShapeDtypeStruct((n, 32), jnp.float32)],
    )(feat, agg1, W_rel1.reshape(1, 64), b_rel1.reshape(1, 64), W_root1.reshape(1, 64),
      W_rel2, b_rel2.reshape(1, 32), W_root2)


def _dense2(agg2, hr, b3d, W1, bb1, W2, bb2, W3, bb3, num_graphs, blk):
    n = agg2.shape[0]
    grid = n // blk

    def body(agg_ref, hr_ref, b_ref, w1, c1, w2, c2, w3, c3, out_ref):
        i = pl.program_id(0)
        x2 = jnp.maximum(agg_ref[...] + hr_ref[...], 0.0)
        t = jnp.maximum(jnp.dot(x2, w1[...], preferred_element_type=jnp.float32) + c1[...], 0.0)
        t = jnp.maximum(jnp.dot(t, w2[...], preferred_element_type=jnp.float32) + c2[...], 0.0)
        y = jnp.dot(t, w3[...], preferred_element_type=jnp.float32) + c3[...]
        bvec = b_ref[0]
        gids = lax.broadcasted_iota(jnp.int32, (num_graphs, blk), 0)
        onehot = (gids == bvec).astype(jnp.float32)
        sums = jnp.dot(onehot, y, preferred_element_type=jnp.float32)
        cnts = jnp.sum(onehot, axis=1, keepdims=True)
        upd = jnp.concatenate(
            [sums, cnts, jnp.zeros((num_graphs, 126), jnp.float32)], axis=1)

        @pl.when(i == 0)
        def _():
            out_ref[...] = jnp.zeros_like(out_ref)

        out_ref[...] += upd

        @pl.when(i == grid - 1)
        def _():
            acc = out_ref[...]
            mean = acc[:, 0:1] / jnp.maximum(acc[:, 1:2], 1.0)
            res = 1.0 / (1.0 + jnp.exp(-mean))
            out_ref[...] = jnp.concatenate([acc[:, 0:2], res, acc[:, 3:]], axis=1)

    full = lambda r, c: pl.BlockSpec((r, c), lambda i: (0, 0))
    out = pl.pallas_call(
        body,
        grid=(grid,),
        in_specs=[
            pl.BlockSpec((blk, 32), lambda i: (i, 0)),
            pl.BlockSpec((blk, 32), lambda i: (i, 0)),
            pl.BlockSpec((1, 1, blk), lambda i: (i, 0, 0)),
            full(32, 16), full(1, 16), full(16, 8), full(1, 8), full(8, 1), full(1, 1),
        ],
        out_specs=pl.BlockSpec((num_graphs, 128), lambda i: (0, 0)),
        out_shape=jax.ShapeDtypeStruct((num_graphs, 128), jnp.float32),
    )(agg2, hr, b3d, W1, bb1.reshape(1, 16), W2, bb2.reshape(1, 8), W3,
      bb3.reshape(1, 1))
    return out[:, 2]


def kernel(feat, edge_index, b, W_rel1, b_rel1, W_root1, W_rel2, b_rel2,
           W_root2, W1, bb1, W2, bb2, W3, bb3):
    n = feat.shape[0]
    num_graphs = 64
    blk = 2000
    src = edge_index[0]
    dst = edge_index[1]

    feat16 = jnp.concatenate([feat, jnp.zeros((n, 15), jnp.float32)], axis=1)
    agg1 = _seg_sum_sc(feat16, src, dst, n, 16)[:, :1]
    g, hr = _dense1(feat, agg1, W_rel1, b_rel1, W_root1,
                    W_rel2, b_rel2, W_root2, blk)
    agg2 = _seg_sum_sc(g, src, dst, n, 32)
    b3d = b.reshape(n // blk, 1, blk)
    return _dense2(agg2, hr, b3d, W1, bb1, W2, bb2, W3, bb3, num_graphs, blk)

# --- scband reference (transcript-rebuilt; emitter-appended) ---
"""Pipeline reference for scband-colored-net-30709016167062 (READ-ONLY COPY).

The authoritative reference and input builder live on the scoring server;
editing this copy changes nothing except your own understanding.
"""

import jax, jax.numpy as jnp
import numpy as np

N = 100000
E = 1600000
NUM_GRAPHS = 64


def setup_inputs(seed: int = 0) -> dict:
    key = jax.random.key(seed)
    ks = jax.random.split(key, 20)
    feat = jax.random.normal(ks[0], (N, 1), dtype=jnp.float32)
    edge_index = jax.random.randint(ks[1], (2, E), 0, N, dtype=jnp.int32)
    b = jnp.sort(jax.random.randint(ks[2], (N,), 0, NUM_GRAPHS, dtype=jnp.int32))
    # GraphConv(1, 64): lin_rel (weight+bias) applied to aggregated neighbors, lin_root (no bias) applied to self
    W_rel1 = jax.random.normal(ks[3], (1, 64), dtype=jnp.float32) * 0.5
    b_rel1 = jnp.zeros((64,), dtype=jnp.float32)
    W_root1 = jax.random.normal(ks[4], (1, 64), dtype=jnp.float32) * 0.5
    # GraphConv(64, 32)
    W_rel2 = jax.random.normal(ks[5], (64, 32), dtype=jnp.float32) * (1.0 / np.sqrt(64))
    b_rel2 = jnp.zeros((32,), dtype=jnp.float32)
    W_root2 = jax.random.normal(ks[6], (64, 32), dtype=jnp.float32) * (1.0 / np.sqrt(64))
    # MLP: Linear(32,16) -> ReLU -> Linear(16,8) -> ReLU -> Linear(8,1)
    W1 = jax.random.normal(ks[7], (32, 16), dtype=jnp.float32) * (1.0 / np.sqrt(32))
    bb1 = jnp.zeros((16,), dtype=jnp.float32)
    W2 = jax.random.normal(ks[8], (16, 8), dtype=jnp.float32) * (1.0 / np.sqrt(16))
    bb2 = jnp.zeros((8,), dtype=jnp.float32)
    W3 = jax.random.normal(ks[9], (8, 1), dtype=jnp.float32) * (1.0 / np.sqrt(8))
    bb3 = jnp.zeros((1,), dtype=jnp.float32)
    return {"feat": feat, "edge_index": edge_index, "b": b,
            "W_rel1": W_rel1, "b_rel1": b_rel1, "W_root1": W_root1,
            "W_rel2": W_rel2, "b_rel2": b_rel2, "W_root2": W_root2,
            "W1": W1, "bb1": bb1, "W2": W2, "bb2": bb2, "W3": W3, "bb3": bb3}


def reference(feat, edge_index, b, W_rel1, b_rel1, W_root1, W_rel2, b_rel2, W_root2, W1, bb1, W2, bb2, W3, bb3):
    src = edge_index[0]
    dst = edge_index[1]
    n = feat.shape[0]

    def gconv(x, Wr, br, Wroot):
        # PyG GraphConv, aggr='add': out_i = lin_rel(sum_{j in N(i)} x_j) + lin_root(x_i)
        msgs = jnp.take(x, src, axis=0)
        agg = jax.ops.segment_sum(msgs, dst, num_segments=n)
        return agg @ Wr + br + x @ Wroot

    x = feat.astype(jnp.float32)
    h = jax.nn.relu(gconv(x, W_rel1, b_rel1, W_root1))
    # dropout is identity at inference
    h = jax.nn.relu(gconv(h, W_rel2, b_rel2, W_root2))
    h = jax.nn.relu(h @ W1 + bb1)
    h = jax.nn.relu(h @ W2 + bb2)
    h = h @ W3 + bb3
    # global_mean_pool over batch vector b
    sums = jax.ops.segment_sum(h, b, num_segments=NUM_GRAPHS)
    counts = jax.ops.segment_sum(jnp.ones((n, 1), dtype=jnp.float32), b, num_segments=NUM_GRAPHS)
    pooled = sums / jnp.maximum(counts, 1.0)
    out = jax.nn.sigmoid(jnp.squeeze(pooled, axis=-1))
    return out

if __name__ == "__main__":
    import jax
    _d = setup_inputs()
    print(jax.jit(kernel)(*tuple(_d.values())))

</pallas_src>

<mosaic_0001>
#map = affine_map<(d0, d1) -> (0, 0)>
#map1 = affine_map<(d0, d1) -> (0)>
module attributes {stable_mosaic.version = 14 : i64} {
  func.func @body(%arg0: i32, %arg1: i32, %arg2: memref<3256x16xf32, #tpu.memory_space<hbm>>, %arg3: memref<100000x16xf32, #tpu.memory_space<hbm>>, %arg4: memref<1600000xi32, #tpu.memory_space<hbm>>, %arg5: memref<1600000xi32, #tpu.memory_space<hbm>>, %arg6: memref<100000x16xf32, #tpu.memory_space<hbm>>, %arg7: memref<128xi32, #tpu.memory_space<vmem>>, %arg8: memref<128xi32, #tpu.memory_space<vmem>>, %arg9: memref<128x16xf32, #tpu.memory_space<vmem>>, %arg10: memref<32xi32, #tpu.memory_space<vmem>>, %arg11: memref<32xi32, #tpu.memory_space<vmem>>, %arg12: memref<32x16xf32, #tpu.memory_space<vmem>>, %arg13: memref<52096x16xf32, #tpu.memory_space<vmem_shared>>, %arg14: memref<!tpu.dma_semaphore, #tpu.memory_space<semaphore_mem>>) attributes {dimension_semantics = [#tpu.dimension_semantics<core_parallel>, #tpu.dimension_semantics<subcore_parallel>], iteration_bounds = array<i64: 2, 16>, scalar_prefetch = 0 : i64, scratch_operands = 8 : i64, tpu.core_type = #tpu.core_type<sc_vector_subcore>, window_params = [{transform_indices = #map}, {transform_indices = #map}, {transform_indices = #map1}, {transform_indices = #map1}, {transform_indices = #map}]} {
    %mul3A = arith.constant 50000 : i32
    %mul3A_0 = arith.muli %arg0, %mul3A : i32
    %mul3A_1 = arith.constant 3256 : i32
    %mul3A_2 = arith.muli %arg1, %mul3A_1 : i32
    "tpu.region"() ({
      %run_scoped3A = tpu.sem_alloc : memref<!tpu.dma_semaphore, #tpu.memory_space<semaphore_mem>>
      %dma_start3A_64 = arith.constant 0 : i32
      %dma_start3A_65 = tpu.memref_slice %arg13[%mul3A_2, %dma_start3A_64] : memref<52096x16xf32, #tpu.memory_space<vmem_shared>> -> memref<3256x16xf32, #tpu.memory_space<vmem_shared>>
      tpu.enqueue_dma source(%arg2 : memref<3256x16xf32, #tpu.memory_space<hbm>>) target(%dma_start3A_65 : memref<3256x16xf32, #tpu.memory_space<vmem_shared>>) target_semaphore(%run_scoped3A : memref<!tpu.dma_semaphore, #tpu.memory_space<semaphore_mem>>)
      %dma_wait3A_66 = arith.constant 0 : i32
      %dma_wait3A_67 = tpu.memref_slice %arg13[%mul3A_2, %dma_wait3A_66] : memref<52096x16xf32, #tpu.memory_space<vmem_shared>> -> memref<3256x16xf32, #tpu.memory_space<vmem_shared>>
      tpu.wait_dma2 semaphore(%run_scoped3A : memref<!tpu.dma_semaphore, #tpu.memory_space<semaphore_mem>>) src(%arg2 : memref<3256x16xf32, #tpu.memory_space<hbm>>) dst(%dma_wait3A_67 : memref<3256x16xf32, #tpu.memory_space<vmem_shared>>)
      tpu.yield
    }) : () -> ()
    %barrier3A = arith.constant 0 : index
    tpu.barrier barrier_id(%barrier3A)
    %mul3A_3 = arith.constant 100000 : i32
    %mul3A_4 = arith.muli %arg1, %mul3A_3 : i32
    %scan3A = arith.constant 0 : i32
    %scan3A_5 = arith.constant 0 : i32
    %scan3A_6 = arith.constant 781 : i32
    %scan3A_7 = arith.addi %scan3A_5, %scan3A_6 : i32
    %scan3A_8 = arith.constant 1 : i32
    scf.for %scan3A_64 = %scan3A_5 to %scan3A_7 step %scan3A_8  : i32 {
      %mul3A_65 = arith.constant 128 : i32
      %mul3A_66 = arith.muli %scan3A_64, %mul3A_65 : i32
      %add3A_67 = arith.addi %mul3A_4, %mul3A_66 : i32
      %multiple_of3A_68 = tpu.assume_multiple %add3A_67, 8 : i32
      "tpu.region"() ({
        %run_scoped3A = tpu.sem_alloc : memref<!tpu.dma_semaphore, #tpu.memory_space<semaphore_mem>>
        %dma_start3A_259 = tpu.memref_slice %arg4[%multiple_of3A_68] : memref<1600000xi32, #tpu.memory_space<hbm>> -> memref<128xi32, #tpu.memory_space<hbm>>
        %dma_start3A_260 = tpu.memref_slice %arg4[%multiple_of3A_68] : memref<1600000xi32, #tpu.memory_space<hbm>> -> memref<128xi32, #tpu.memory_space<hbm>>
        tpu.enqueue_dma source(%dma_start3A_260 : memref<128xi32, #tpu.memory_space<hbm>>) target(%arg7 : memref<128xi32, #tpu.memory_space<vmem>>) target_semaphore(%run_scoped3A : memref<!tpu.dma_semaphore, #tpu.memory_space<semaphore_mem>>)
        %dma_wait3A_261 = tpu.memref_slice %arg4[%multiple_of3A_68] : memref<1600000xi32, #tpu.memory_space<hbm>> -> memref<128xi32, #tpu.memory_space<hbm>>
        %dma_wait3A_262 = tpu.memref_slice %arg4[%multiple_of3A_68] : memref<1600000xi32, #tpu.memory_space<hbm>> -> memref<128xi32, #tpu.memory_space<hbm>>
        tpu.wait_dma2 semaphore(%run_scoped3A : memref<!tpu.dma_semaphore, #tpu.memory_space<semaphore_mem>>) src(%dma_wait3A_262 : memref<128xi32, #tpu.memory_space<hbm>>) dst(%arg7 : memref<128xi32, #tpu.memory_space<vmem>>)
        tpu.yield
      }) : () -> ()
      "tpu.region"() ({
        %run_scoped3A = tpu.sem_alloc : memref<!tpu.dma_semaphore, #tpu.memory_space<semaphore_mem>>
        %dma_start3A_259 = tpu.memref_slice %arg5[%multiple_of3A_68] : memref<1600000xi32, #tpu.memory_space<hbm>> -> memref<128xi32, #tpu.memory_space<hbm>>
        %dma_start3A_260 = tpu.memref_slice %arg5[%multiple_of3A_68] : memref<1600000xi32, #tpu.memory_space<hbm>> -> memref<128xi32, #tpu.memory_space<hbm>>
        tpu.enqueue_dma source(%dma_start3A_260 : memref<128xi32, #tpu.memory_space<hbm>>) target(%arg8 : memref<128xi32, #tpu.memory_space<vmem>>) target_semaphore(%run_scoped3A : memref<!tpu.dma_semaphore, #tpu.memory_space<semaphore_mem>>)
        %dma_wait3A_261 = tpu.memref_slice %arg5[%multiple_of3A_68] : memref<1600000xi32, #tpu.memory_space<hbm>> -> memref<128xi32, #tpu.memory_space<hbm>>
        %dma_wait3A_262 = tpu.memref_slice %arg5[%multiple_of3A_68] : memref<1600000xi32, #tpu.memory_space<hbm>> -> memref<128xi32, #tpu.memory_space<hbm>>
        tpu.wait_dma2 semaphore(%run_scoped3A : memref<!tpu.dma_semaphore, #tpu.memory_space<semaphore_mem>>) src(%dma_wait3A_262 : memref<128xi32, #tpu.memory_space<hbm>>) dst(%arg8 : memref<128xi32, #tpu.memory_space<vmem>>)
        tpu.yield
      }) : () -> ()
      %get3A_69 = arith.constant 0 : index
      %get3A_70 = tpu.vector_load %arg8[%get3A_69] {strides = array<i32>} : memref<128xi32, #tpu.memory_space<vmem>>, vector<16xi32>,
      %get3A_71 = vector.shape_cast %get3A_70 : vector<16xi32> to vector<16xi32>
      %ge3A_72 = vector.broadcast %mul3A_0 : i32 to vector<16xi32>
      %ge3A_73 = arith.cmpi sge, %get3A_71, %ge3A_72 : vector<16xi32>
      %add3A_74 = arith.constant 50000 : i32
      %add3A_75 = arith.addi %mul3A_0, %add3A_74 : i32
      %lt3A_76 = vector.broadcast %add3A_75 : i32 to vector<16xi32>
      %lt3A_77 = arith.cmpi slt, %get3A_71, %lt3A_76 : vector<16xi32>
      %and3A_78 = arith.andi %ge3A_73, %lt3A_77 : vector<16xi1>
      %sub3A_79 = vector.broadcast %mul3A_0 : i32 to vector<16xi32>
      %sub3A_80 = arith.subi %get3A_71, %sub3A_79 : vector<16xi32>
      %and3A_81 = arith.constant 2047 : i32
      %and3A_82 = vector.broadcast %and3A_81 : i32 to vector<16xi32>
      %and3A_83 = arith.andi %get3A_71, %and3A_82 : vector<16xi32>
      %add3A_84 = arith.constant 50000 : i32
      %add3A_85 = vector.broadcast %add3A_84 : i32 to vector<16xi32>
      %add3A_86 = arith.addi %add3A_85, %and3A_83 : vector<16xi32>
      %select_n3A_87 = arith.select %and3A_78, %sub3A_80, %add3A_86 : vector<16xi1>, vector<16xi32>
      %swap3A_88 = arith.constant 0 : index
      %swap3A_89 = tpu.vector_load %arg8[%swap3A_88] {strides = array<i32>} : memref<128xi32, #tpu.memory_space<vmem>>, vector<16xi32>,
      %swap3A_90 = vector.shape_cast %swap3A_89 : vector<16xi32> to vector<16xi32>
      %swap3A_91 = vector.shape_cast %select_n3A_87 : vector<16xi32> to vector<16xi32>
      tpu.vector_store %arg8[%swap3A_88], %swap3A_91 {strides = array<i32>} : memref<128xi32, #tpu.memory_space<vmem>>, vector<16xi32>,
      %get3A_92 = arith.constant 16 : index
      %get3A_93 = tpu.vector_load %arg8[%get3A_92] {strides = array<i32>} : memref<128xi32, #tpu.memory_space<vmem>>, vector<16xi32>,
      %get3A_94 = vector.shape_cast %get3A_93 : vector<16xi32> to vector<16xi32>
      %ge3A_95 = vector.broadcast %mul3A_0 : i32 to vector<16xi32>
      %ge3A_96 = arith.cmpi sge, %get3A_94, %ge3A_95 : vector<16xi32>
      %add3A_97 = arith.constant 50000 : i32
      %add3A_98 = arith.addi %mul3A_0, %add3A_97 : i32
      %lt3A_99 = vector.broadcast %add3A_98 : i32 to vector<16xi32>
      %lt3A_100 = arith.cmpi slt, %get3A_94, %lt3A_99 : vector<16xi32>
      %and3A_101 = arith.andi %ge3A_96, %lt3A_100 : vector<16xi1>
      %sub3A_102 = vector.broadcast %mul3A_0 : i32 to vector<16xi32>
      %sub3A_103 = arith.subi %get3A_94, %sub3A_102 : vector<16xi32>
      %and3A_104 = arith.constant 2047 : i32
      %and3A_105 = vector.broadcast %and3A_104 : i32 to vector<16xi32>
      %and3A_106 = arith.andi %get3A_94, %and3A_105 : vector<16xi32>
      %add3A_107 = arith.constant 50000 : i32
      %add3A_108 = vector.broadcast %add3A_107 : i32 to vector<16xi32>
      %add3A_109 = arith.addi %add3A_108, %and3A_106 : vector<16xi32>
      %select_n3A_110 = arith.select %and3A_101, %sub3A_103, %add3A_109 : vector<16xi1>, vector<16xi32>
      %swap3A_111 = arith.constant 16 : index
      %swap3A_112 = tpu.vector_load %arg8[%swap3A_111] {strides = array<i32>} : memref<128xi32, #tpu.memory_space<vmem>>, vector<16xi32>,
      %swap3A_113 = vector.shape_cast %swap3A_112 : vector<16xi32> to vector<16xi32>
      %swap3A_114 = vector.shape_cast %select_n3A_110 : vector<16xi32> to vector<16xi32>
      tpu.vector_store %arg8[%swap3A_111], %swap3A_114 {strides = array<i32>} : memref<128xi32, #tpu.memory_space<vmem>>, vector<16xi32>,
      %get3A_115 = arith.constant 32 : index
      %get3A_116 = tpu.vector_load %arg8[%get3A_115] {strides = array<i32>} : memref<128xi32, #tpu.memory_space<vmem>>, vector<16xi32>,
      %get3A_117 = vector.shape_cast %get3A_116 : vector<16xi32> to vector<16xi32>
      %ge3A_118 = vector.broadcast %mul3A_0 : i32 to vector<16xi32>
      %ge3A_119 = arith.cmpi sge, %get3A_117, %ge3A_118 : vector<16xi32>
      %add3A_120 = arith.constant 50000 : i32
      %add3A_121 = arith.addi %mul3A_0, %add3A_120 : i32
      %lt3A_122 = vector.broadcast %add3A_121 : i32 to vector<16xi32>
      %lt3A_123 = arith.cmpi slt, %get3A_117, %lt3A_122 : vector<16xi32>
      %and3A_124 = arith.andi %ge3A_119, %lt3A_123 : vector<16xi1>
      %sub3A_125 = vector.broadcast %mul3A_0 : i32 to vector<16xi32>
      %sub3A_126 = arith.subi %get3A_117, %sub3A_125 : vector<16xi32>
      %and3A_127 = arith.constant 2047 : i32
      %and3A_128 = vector.broadcast %and3A_127 : i32 to vector<16xi32>
      %and3A_129 = arith.andi %get3A_117, %and3A_128 : vector<16xi32>
      %add3A_130 = arith.constant 50000 : i32
      %add3A_131 = vector.broadcast %add3A_130 : i32 to vector<16xi32>
      %add3A_132 = arith.addi %add3A_131, %and3A_129 : vector<16xi32>
      %select_n3A_133 = arith.select %and3A_124, %sub3A_126, %add3A_132 : vector<16xi1>, vector<16xi32>
      %swap3A_134 = arith.constant 32 : index
      %swap3A_135 = tpu.vector_load %arg8[%swap3A_134] {strides = array<i32>} : memref<128xi32, #tpu.memory_space<vmem>>, vector<16xi32>,
      %swap3A_136 = vector.shape_cast %swap3A_135 : vector<16xi32> to vector<16xi32>
      %swap3A_137 = vector.shape_cast %select_n3A_133 : vector<16xi32> to vector<16xi32>
      tpu.vector_store %arg8[%swap3A_134], %swap3A_137 {strides = array<i32>} : memref<128xi32, #tpu.memory_space<vmem>>, vector<16xi32>,
      %get3A_138 = arith.constant 48 : index
      %get3A_139 = tpu.vector_load %arg8[%get3A_138] {strides = array<i32>} : memref<128xi32, #tpu.memory_space<vmem>>, vector<16xi32>,
      %get3A_140 = vector.shape_cast %get3A_139 : vector<16xi32> to vector<16xi32>
      %ge3A_141 = vector.broadcast %mul3A_0 : i32 to vector<16xi32>
      %ge3A_142 = arith.cmpi sge, %get3A_140, %ge3A_141 : vector<16xi32>
      %add3A_143 = arith.constant 50000 : i32
      %add3A_144 = arith.addi %mul3A_0, %add3A_143 : i32
      %lt3A_145 = vector.broadcast %add3A_144 : i32 to vector<16xi32>
      %lt3A_146 = arith.cmpi slt, %get3A_140, %lt3A_145 : vector<16xi32>
      %and3A_147 = arith.andi %ge3A_142, %lt3A_146 : vector<16xi1>
      %sub3A_148 = vector.broadcast %mul3A_0 : i32 to vector<16xi32>
      %sub3A_149 = arith.subi %get3A_140, %sub3A_148 : vector<16xi32>
      %and3A_150 = arith.constant 2047 : i32
      %and3A_151 = vector.broadcast %and3A_150 : i32 to vector<16xi32>
      %and3A_152 = arith.andi %get3A_140, %and3A_151 : vector<16xi32>
      %add3A_153 = arith.constant 50000 : i32
      %add3A_154 = vector.broadcast %add3A_153 : i32 to vector<16xi32>
      %add3A_155 = arith.addi %add3A_154, %and3A_152 : vector<16xi32>
      %select_n3A_156 = arith.select %and3A_147, %sub3A_149, %add3A_155 : vector<16xi1>, vector<16xi32>
      %swap3A_157 = arith.constant 48 : index
      %swap3A_158 = tpu.vector_load %arg8[%swap3A_157] {strides = array<i32>} : memref<128xi32, #tpu.memory_space<vmem>>, vector<16xi32>,
      %swap3A_159 = vector.shape_cast %swap3A_158 : vector<16xi32> to vector<16xi32>
      %swap3A_160 = vector.shape_cast %select_n3A_156 : vector<16xi32> to vector<16xi32>
      tpu.vector_store %arg8[%swap3A_157], %swap3A_160 {strides = array<i32>} : memref<128xi32, #tpu.memory_space<vmem>>, vector<16xi32>,
      %get3A_161 = arith.constant 64 : index
      %get3A_162 = tpu.vector_load %arg8[%get3A_161] {strides = array<i32>} : memref<128xi32, #tpu.memory_space<vmem>>, vector<16xi32>,
      %get3A_163 = vector.shape_cast %get3A_162 : vector<16xi32> to vector<16xi32>
      %ge3A_164 = vector.broadcast %mul3A_0 : i32 to vector<16xi32>
      %ge3A_165 = arith.cmpi sge, %get3A_163, %ge3A_164 : vector<16xi32>
      %add3A_166 = arith.constant 50000 : i32
      %add3A_167 = arith.addi %mul3A_0, %add3A_166 : i32
      %lt3A_168 = vector.broadcast %add3A_167 : i32 to vector<16xi32>
      %lt3A_169 = arith.cmpi slt, %get3A_163, %lt3A_168 : vector<16xi32>
      %and3A_170 = arith.andi %ge3A_165, %lt3A_169 : vector<16xi1>
      %sub3A_171 = vector.broadcast %mul3A_0 : i32 to vector<16xi32>
      %sub3A_172 = arith.subi %get3A_163, %sub3A_171 : vector<16xi32>
      %and3A_173 = arith.constant 2047 : i32
      %and3A_174 = vector.broadcast %and3A_173 : i32 to vector<16xi32>
      %and3A_175 = arith.andi %get3A_163, %and3A_174 : vector<16xi32>
      %add3A_176 = arith.constant 50000 : i32
      %add3A_177 = vector.broadcast %add3A_176 : i32 to vector<16xi32>
      %add3A_178 = arith.addi %add3A_177, %and3A_175 : vector<16xi32>
      %select_n3A_179 = arith.select %and3A_170, %sub3A_172, %add3A_178 : vector<16xi1>, vector<16xi32>
      %swap3A_180 = arith.constant 64 : index
      %swap3A_181 = tpu.vector_load %arg8[%swap3A_180] {strides = array<i32>} : memref<128xi32, #tpu.memory_space<vmem>>, vector<16xi32>,
      %swap3A_182 = vector.shape_cast %swap3A_181 : vector<16xi32> to vector<16xi32>
      %swap3A_183 = vector.shape_cast %select_n3A_179 : vector<16xi32> to vector<16xi32>
      tpu.vector_store %arg8[%swap3A_180], %swap3A_183 {strides = array<i32>} : memref<128xi32, #tpu.memory_space<vmem>>, vector<16xi32>,
      %get3A_184 = arith.constant 80 : index
      %get3A_185 = tpu.vector_load %arg8[%get3A_184] {strides = array<i32>} : memref<128xi32, #tpu.memory_space<vmem>>, vector<16xi32>,
      %get3A_186 = vector.shape_cast %get3A_185 : vector<16xi32> to vector<16xi32>
      %ge3A_187 = vector.broadcast %mul3A_0 : i32 to vector<16xi32>
      %ge3A_188 = arith.cmpi sge, %get3A_186, %ge3A_187 : vector<16xi32>
      %add3A_189 = arith.constant 50000 : i32
      %add3A_190 = arith.addi %mul3A_0, %add3A_189 : i32
      %lt3A_191 = vector.broadcast %add3A_190 : i32 to vector<16xi32>
      %lt3A_192 = arith.cmpi slt, %get3A_186, %lt3A_191 : vector<16xi32>
      %and3A_193 = arith.andi %ge3A_188, %lt3A_192 : vector<16xi1>
      %sub3A_194 = vector.broadcast %mul3A_0 : i32 to vector<16xi32>
      %sub3A_195 = arith.subi %get3A_186, %sub3A_194 : vector<16xi32>
      %and3A_196 = arith.constant 2047 : i32
      %and3A_197 = vector.broadcast %and3A_196 : i32 to vector<16xi32>
      %and3A_198 = arith.andi %get3A_186, %and3A_197 : vector<16xi32>
      %add3A_199 = arith.constant 50000 : i32
      %add3A_200 = vector.broadcast %add3A_199 : i32 to vector<16xi32>
      %add3A_201 = arith.addi %add3A_200, %and3A_198 : vector<16xi32>
      %select_n3A_202 = arith.select %and3A_193, %sub3A_195, %add3A_201 : vector<16xi1>, vector<16xi32>
      %swap3A_203 = arith.constant 80 : index
      %swap3A_204 = tpu.vector_load %arg8[%swap3A_203] {strides = array<i32>} : memref<128xi32, #tpu.memory_space<vmem>>, vector<16xi32>,
      %swap3A_205 = vector.shape_cast %swap3A_204 : vector<16xi32> to vector<16xi32>
      %swap3A_206 = vector.shape_cast %select_n3A_202 : vector<16xi32> to vector<16xi32>
      tpu.vector_store %arg8[%swap3A_203], %swap3A_206 {strides = array<i32>} : memref<128xi32, #tpu.memory_space<vmem>>, vector<16xi32>,
      %get3A_207 = arith.constant 96 : index
      %get3A_208 = tpu.vector_load %arg8[%get3A_207] {strides = array<i32>} : memref<128xi32, #tpu.memory_space<vmem>>, vector<16xi32>,
      %get3A_209 = vector.shape_cast %get3A_208 : vector<16xi32> to vector<16xi32>
      %ge3A_210 = vector.broadcast %mul3A_0 : i32 to vector<16xi32>
      %ge3A_211 = arith.cmpi sge, %get3A_209, %ge3A_210 : vector<16xi32>
      %add3A_212 = arith.constant 50000 : i32
      %add3A_213 = arith.addi %mul3A_0, %add3A_212 : i32
      %lt3A_214 = vector.broadcast %add3A_213 : i32 to vector<16xi32>
      %lt3A_215 = arith.cmpi slt, %get3A_209, %lt3A_214 : vector<16xi32>
      %and3A_216 = arith.andi %ge3A_211, %lt3A_215 : vector<16xi1>
      %sub3A_217 = vector.broadcast %mul3A_0 : i32 to vector<16xi32>
      %sub3A_218 = arith.subi %get3A_209, %sub3A_217 : vector<16xi32>
      %and3A_219 = arith.constant 2047 : i32
      %and3A_220 = vector.broadcast %and3A_219 : i32 to vector<16xi32>
      %and3A_221 = arith.andi %get3A_209, %and3A_220 : vector<16xi32>
      %add3A_222 = arith.constant 50000 : i32
      %add3A_223 = vector.broadcast %add3A_222 : i32 to vector<16xi32>
      %add3A_224 = arith.addi %add3A_223, %and3A_221 : vector<16xi32>
      %select_n3A_225 = arith.select %and3A_216, %sub3A_218, %add3A_224 : vector<16xi1>, vector<16xi32>
      %swap3A_226 = arith.constant 96 : index
      %swap3A_227 = tpu.vector_load %arg8[%swap3A_226] {strides = array<i32>} : memref<128xi32, #tpu.memory_space<vmem>>, vector<16xi32>,
      %swap3A_228 = vector.shape_cast %swap3A_227 : vector<16xi32> to vector<16xi32>
      %swap3A_229 = vector.shape_cast %select_n3A_225 : vector<16xi32> to vector<16xi32>
      tpu.vector_store %arg8[%swap3A_226], %swap3A_229 {strides = array<i32>} : memref<128xi32, #tpu.memory_space<vmem>>, vector<16xi32>,
      %get3A_230 = arith.constant 112 : index
      %get3A_231 = tpu.vector_load %arg8[%get3A_230] {strides = array<i32>} : memref<128xi32, #tpu.memory_space<vmem>>, vector<16xi32>,
      %get3A_232 = vector.shape_cast %get3A_231 : vector<16xi32> to vector<16xi32>
      %ge3A_233 = vector.broadcast %mul3A_0 : i32 to vector<16xi32>
      %ge3A_234 = arith.cmpi sge, %get3A_232, %ge3A_233 : vector<16xi32>
      %add3A_235 = arith.constant 50000 : i32
      %add3A_236 = arith.addi %mul3A_0, %add3A_235 : i32
      %lt3A_237 = vector.broadcast %add3A_236 : i32 to vector<16xi32>
      %lt3A_238 = arith.cmpi slt, %get3A_232, %lt3A_237 : vector<16xi32>
      %and3A_239 = arith.andi %ge3A_234, %lt3A_238 : vector<16xi1>
      %sub3A_240 = vector.broadcast %mul3A_0 : i32 to vector<16xi32>
      %sub3A_241 = arith.subi %get3A_232, %sub3A_240 : vector<16xi32>
      %and3A_242 = arith.constant 2047 : i32
      %and3A_243 = vector.broadcast %and3A_242 : i32 to vector<16xi32>
      %and3A_244 = arith.andi %get3A_232, %and3A_243 : vector<16xi32>
      %add3A_245 = arith.constant 50000 : i32
      %add3A_246 = vector.broadcast %add3A_245 : i32 to vector<16xi32>
      %add3A_247 = arith.addi %add3A_246, %and3A_244 : vector<16xi32>
      %select_n3A_248 = arith.select %and3A_239, %sub3A_241, %add3A_247 : vector<16xi1>, vector<16xi32>
      %swap3A_249 = arith.constant 112 : index
      %swap3A_250 = tpu.vector_load %arg8[%swap3A_249] {strides = array<i32>} : memref<128xi32, #tpu.memory_space<vmem>>, vector<16xi32>,
      %swap3A_251 = vector.shape_cast %swap3A_250 : vector<16xi32> to vector<16xi32>
      %swap3A_252 = vector.shape_cast %select_n3A_248 : vector<16xi32> to vector<16xi32>
      tpu.vector_store %arg8[%swap3A_249], %swap3A_252 {strides = array<i32>} : memref<128xi32, #tpu.memory_space<vmem>>, vector<16xi32>,
      %dma_start3A_253 = arith.constant 0 : i32
      %dma_start3A_254 = arith.constant 0 : i32
      %dma_start3A_255 = tpu.memref_slice %arg3[%dma_start3A_253, %dma_start3A_254] : memref<100000x16xf32, #tpu.memory_space<hbm>> -> memref<100000x16xf32, #tpu.memory_space<hbm>>
      tpu.enqueue_indirect_dma source(%dma_start3A_255 : memref<100000x16xf32, #tpu.memory_space<hbm>>) target(%arg9 : memref<128x16xf32, #tpu.memory_space<vmem>>) offsets(%arg7 : memref<128xi32, #tpu.memory_space<vmem>>) semaphore(%arg14 : memref<!tpu.dma_semaphore, #tpu.memory_space<semaphore_mem>>)
      %dma_wait3A_256 = arith.constant 0 : i32
      %dma_wait3A_257 = arith.constant 0 : i32
      %dma_wait3A_258 = tpu.memref_slice %arg3[%dma_wait3A_256, %dma_wait3A_257] : memref<100000x16xf32, #tpu.memory_space<hbm>> -> memref<100000x16xf32, #tpu.memory_space<hbm>>
      tpu.wait_indirect_dma semaphore(%arg14 : memref<!tpu.dma_semaphore, #tpu.memory_space<semaphore_mem>>) src(%dma_wait3A_258 : memref<100000x16xf32, #tpu.memory_space<hbm>>) dst(%arg9 : memref<128x16xf32, #tpu.memory_space<vmem>>)
      "tpu.region"() ({
        %run_scoped3A = tpu.sem_alloc : memref<!tpu.dma_semaphore, #tpu.memory_space<semaphore_mem>>
        %dma_start3A_259 = arith.constant 0 : i32
        %dma_start3A_260 = arith.constant 0 : i32
        %dma_start3A_261 = tpu.memref_slice %arg13[%dma_start3A_259, %dma_start3A_260] : memref<52096x16xf32, #tpu.memory_space<vmem_shared>> -> memref<52096x16xf32, #tpu.memory_space<vmem_shared>>
        tpu.enqueue_indirect_dma source(%arg9 : memref<128x16xf32, #tpu.memory_space<vmem>>) target(%dma_start3A_261 : memref<52096x16xf32, #tpu.memory_space<vmem_shared>>) offsets(%arg8 : memref<128xi32, #tpu.memory_space<vmem>>) semaphore(%run_scoped3A : memref<!tpu.dma_semaphore, #tpu.memory_space<semaphore_mem>>) {add = true}
        %dma_wait3A_262 = arith.constant 0 : i32
        %dma_wait3A_263 = arith.constant 0 : i32
        %dma_wait3A_264 = tpu.memref_slice %arg13[%dma_wait3A_262, %dma_wait3A_263] : memref<52096x16xf32, #tpu.memory_space<vmem_shared>> -> memref<52096x16xf32, #tpu.memory_space<vmem_shared>>
        tpu.wait_indirect_dma semaphore(%run_scoped3A : memref<!tpu.dma_semaphore, #tpu.memory_space<semaphore_mem>>) src(%arg9 : memref<128x16xf32, #tpu.memory_space<vmem>>) dst(%dma_wait3A_264 : memref<52096x16xf32, #tpu.memory_space<vmem_shared>>)
        tpu.yield
      }) : () -> ()
    }
    %scan3A_9 = arith.constant 781 : i32
    %add3A = arith.constant 99968 : i32
    %add3A_10 = arith.addi %mul3A_4, %add3A : i32
    %multiple_of3A = tpu.assume_multiple %add3A_10, 8 : i32
    "tpu.region"() ({
      %run_scoped3A = tpu.sem_alloc : memref<!tpu.dma_semaphore, #tpu.memory_space<semaphore_mem>>
      %dma_start3A_64 = tpu.memref_slice %arg4[%multiple_of3A] : memref<1600000xi32, #tpu.memory_space<hbm>> -> memref<32xi32, #tpu.memory_space<hbm>>
      %dma_start3A_65 = tpu.memref_slice %arg4[%multiple_of3A] : memref<1600000xi32, #tpu.memory_space<hbm>> -> memref<32xi32, #tpu.memory_space<hbm>>
      tpu.enqueue_dma source(%dma_start3A_65 : memref<32xi32, #tpu.memory_space<hbm>>) target(%arg10 : memref<32xi32, #tpu.memory_space<vmem>>) target_semaphore(%run_scoped3A : memref<!tpu.dma_semaphore, #tpu.memory_space<semaphore_mem>>)
      %dma_wait3A_66 = tpu.memref_slice %arg4[%multiple_of3A] : memref<1600000xi32, #tpu.memory_space<hbm>> -> memref<32xi32, #tpu.memory_space<hbm>>
      %dma_wait3A_67 = tpu.memref_slice %arg4[%multiple_of3A] : memref<1600000xi32, #tpu.memory_space<hbm>> -> memref<32xi32, #tpu.memory_space<hbm>>
      tpu.wait_dma2 semaphore(%run_scoped3A : memref<!tpu.dma_semaphore, #tpu.memory_space<semaphore_mem>>) src(%dma_wait3A_67 : memref<32xi32, #tpu.memory_space<hbm>>) dst(%arg10 : memref<32xi32, #tpu.memory_space<vmem>>)
      tpu.yield
    }) : () -> ()
    "tpu.region"() ({
      %run_scoped3A = tpu.sem_alloc : memref<!tpu.dma_semaphore, #tpu.memory_space<semaphore_mem>>
      %dma_start3A_64 = tpu.memref_slice %arg5[%multiple_of3A] : memref<1600000xi32, #tpu.memory_space<hbm>> -> memref<32xi32, #tpu.memory_space<hbm>>
      %dma_start3A_65 = tpu.memref_slice %arg5[%multiple_of3A] : memref<1600000xi32, #tpu.memory_space<hbm>> -> memref<32xi32, #tpu.memory_space<hbm>>
      tpu.enqueue_dma source(%dma_start3A_65 : memref<32xi32, #tpu.memory_space<hbm>>) target(%arg11 : memref<32xi32, #tpu.memory_space<vmem>>) target_semaphore(%run_scoped3A : memref<!tpu.dma_semaphore, #tpu.memory_space<semaphore_mem>>)
      %dma_wait3A_66 = tpu.memref_slice %arg5[%multiple_of3A] : memref<1600000xi32, #tpu.memory_space<hbm>> -> memref<32xi32, #tpu.memory_space<hbm>>
      %dma_wait3A_67 = tpu.memref_slice %arg5[%multiple_of3A] : memref<1600000xi32, #tpu.memory_space<hbm>> -> memref<32xi32, #tpu.memory_space<hbm>>
      tpu.wait_dma2 semaphore(%run_scoped3A : memref<!tpu.dma_semaphore, #tpu.memory_space<semaphore_mem>>) src(%dma_wait3A_67 : memref<32xi32, #tpu.memory_space<hbm>>) dst(%arg11 : memref<32xi32, #tpu.memory_space<vmem>>)
      tpu.yield
    }) : () -> ()
    %get3A = arith.constant 0 : index
    %get3A_11 = tpu.vector_load %arg11[%get3A] {strides = array<i32>} : memref<32xi32, #tpu.memory_space<vmem>>, vector<16xi32>,
    %get3A_12 = vector.shape_cast %get3A_11 : vector<16xi32> to vector<16xi32>
    %ge3A = vector.broadcast %mul3A_0 : i32 to vector<16xi32>
    %ge3A_13 = arith.cmpi sge, %get3A_12, %ge3A : vector<16xi32>
    %add3A_14 = arith.constant 50000 : i32
    %add3A_15 = arith.addi %mul3A_0, %add3A_14 : i32
    %lt3A = vector.broadcast %add3A_15 : i32 to vector<16xi32>
    %lt3A_16 = arith.cmpi slt, %get3A_12, %lt3A : vector<16xi32>
    %and3A = arith.andi %ge3A_13, %lt3A_16 : vector<16xi1>
    %sub3A = vector.broadcast %mul3A_0 : i32 to vector<16xi32>
    %sub3A_17 = arith.subi %get3A_12, %sub3A : vector<16xi32>
    %and3A_18 = arith.constant 2047 : i32
    %and3A_19 = vector.broadcast %and3A_18 : i32 to vector<16xi32>
    %and3A_20 = arith.andi %get3A_12, %and3A_19 : vector<16xi32>
    %add3A_21 = arith.constant 50000 : i32
    %add3A_22 = vector.broadcast %add3A_21 : i32 to vector<16xi32>
    %add3A_23 = arith.addi %add3A_22, %and3A_20 : vector<16xi32>
    %select_n3A = arith.select %and3A, %sub3A_17, %add3A_23 : vector<16xi1>, vector<16xi32>
    %swap3A = arith.constant 0 : index
    %swap3A_24 = tpu.vector_load %arg11[%swap3A] {strides = array<i32>} : memref<32xi32, #tpu.memory_space<vmem>>, vector<16xi32>,
    %swap3A_25 = vector.shape_cast %swap3A_24 : vector<16xi32> to vector<16xi32>
    %swap3A_26 = vector.shape_cast %select_n3A : vector<16xi32> to vector<16xi32>
    tpu.vector_store %arg11[%swap3A], %swap3A_26 {strides = array<i32>} : memref<32xi32, #tpu.memory_space<vmem>>, vector<16xi32>,
    %get3A_27 = arith.constant 16 : index
    %get3A_28 = tpu.vector_load %arg11[%get3A_27] {strides = array<i32>} : memref<32xi32, #tpu.memory_space<vmem>>, vector<16xi32>,
    %get3A_29 = vector.shape_cast %get3A_28 : vector<16xi32> to vector<16xi32>
    %ge3A_30 = vector.broadcast %mul3A_0 : i32 to vector<16xi32>
    %ge3A_31 = arith.cmpi sge, %get3A_29, %ge3A_30 : vector<16xi32>
    %add3A_32 = arith.constant 50000 : i32
    %add3A_33 = arith.addi %mul3A_0, %add3A_32 : i32
    %lt3A_34 = vector.broadcast %add3A_33 : i32 to vector<16xi32>
    %lt3A_35 = arith.cmpi slt, %get3A_29, %lt3A_34 : vector<16xi32>
    %and3A_36 = arith.andi %ge3A_31, %lt3A_35 : vector<16xi1>
    %sub3A_37 = vector.broadcast %mul3A_0 : i32 to vector<16xi32>
    %sub3A_38 = arith.subi %get3A_29, %sub3A_37 : vector<16xi32>
    %and3A_39 = arith.constant 2047 : i32
    %and3A_40 = vector.broadcast %and3A_39 : i32 to vector<16xi32>
    %and3A_41 = arith.andi %get3A_29, %and3A_40 : vector<16xi32>
    %add3A_42 = arith.constant 50000 : i32
    %add3A_43 = vector.broadcast %add3A_42 : i32 to vector<16xi32>
    %add3A_44 = arith.addi %add3A_43, %and3A_41 : vector<16xi32>
    %select_n3A_45 = arith.select %and3A_36, %sub3A_38, %add3A_44 : vector<16xi1>, vector<16xi32>
    %swap3A_46 = arith.constant 16 : index
    %swap3A_47 = tpu.vector_load %arg11[%swap3A_46] {strides = array<i32>} : memref<32xi32, #tpu.memory_space<vmem>>, vector<16xi32>,
    %swap3A_48 = vector.shape_cast %swap3A_47 : vector<16xi32> to vector<16xi32>
    %swap3A_49 = vector.shape_cast %select_n3A_45 : vector<16xi32> to vector<16xi32>
    tpu.vector_store %arg11[%swap3A_46], %swap3A_49 {strides = array<i32>} : memref<32xi32, #tpu.memory_space<vmem>>, vector<16xi32>,
    %dma_start3A = arith.constant 0 : i32
    %dma_start3A_50 = arith.constant 0 : i32
    %dma_start3A_51 = tpu.memref_slice %arg3[%dma_start3A, %dma_start3A_50] : memref<100000x16xf32, #tpu.memory_space<hbm>> -> memref<100000x16xf32, #tpu.memory_space<hbm>>
    tpu.enqueue_indirect_dma source(%dma_start3A_51 : memref<100000x16xf32, #tpu.memory_space<hbm>>) target(%arg12 : memref<32x16xf32, #tpu.memory_space<vmem>>) offsets(%arg10 : memref<32xi32, #tpu.memory_space<vmem>>) semaphore(%arg14 : memref<!tpu.dma_semaphore, #tpu.memory_space<semaphore_mem>>)
    %dma_wait3A = arith.constant 0 : i32
    %dma_wait3A_52 = arith.constant 0 : i32
    %dma_wait3A_53 = tpu.memref_slice %arg3[%dma_wait3A, %dma_wait3A_52] : memref<100000x16xf32, #tpu.memory_space<hbm>> -> memref<100000x16xf32, #tpu.memory_space<hbm>>
    tpu.wait_indirect_dma semaphore(%arg14 : memref<!tpu.dma_semaphore, #tpu.memory_space<semaphore_mem>>) src(%dma_wait3A_53 : memref<100000x16xf32, #tpu.memory_space<hbm>>) dst(%arg12 : memref<32x16xf32, #tpu.memory_space<vmem>>)
    "tpu.region"() ({
      %run_scoped3A = tpu.sem_alloc : memref<!tpu.dma_semaphore, #tpu.memory_space<semaphore_mem>>
      %dma_start3A_64 = arith.constant 0 : i32
      %dma_start3A_65 = arith.constant 0 : i32
      %dma_start3A_66 = tpu.memref_slice %arg13[%dma_start3A_64, %dma_start3A_65] : memref<52096x16xf32, #tpu.memory_space<vmem_shared>> -> memref<52096x16xf32, #tpu.memory_space<vmem_shared>>
      tpu.enqueue_indirect_dma source(%arg12 : memref<32x16xf32, #tpu.memory_space<vmem>>) target(%dma_start3A_66 : memref<52096x16xf32, #tpu.memory_space<vmem_shared>>) offsets(%arg11 : memref<32xi32, #tpu.memory_space<vmem>>) semaphore(%run_scoped3A : memref<!tpu.dma_semaphore, #tpu.memory_space<semaphore_mem>>) {add = true}
      %dma_wait3A_67 = arith.constant 0 : i32
      %dma_wait3A_68 = arith.constant 0 : i32
      %dma_wait3A_69 = tpu.memref_slice %arg13[%dma_wait3A_67, %dma_wait3A_68] : memref<52096x16xf32, #tpu.memory_space<vmem_shared>> -> memref<52096x16xf32, #tpu.memory_space<vmem_shared>>
      tpu.wait_indirect_dma semaphore(%run_scoped3A : memref<!tpu.dma_semaphore, #tpu.memory_space<semaphore_mem>>) src(%arg12 : memref<32x16xf32, #tpu.memory_space<vmem>>) dst(%dma_wait3A_69 : memref<52096x16xf32, #tpu.memory_space<vmem_shared>>)
      tpu.yield
    }) : () -> ()
    %barrier3A_54 = arith.constant 0 : index
    tpu.barrier barrier_id(%barrier3A_54)
    %barrier3A_55 = arith.constant 0 : index
    tpu.barrier barrier_id(%barrier3A_55)
    %barrier3A_56 = arith.constant 0 : index
    tpu.barrier barrier_id(%barrier3A_56)
    %lt3A_57 = arith.constant 15 : i32
    %lt3A_58 = arith.cmpi slt, %arg1, %lt3A_57 : i32
    %convert_element_type3A = arith.extui %lt3A_58 : i1 to i32
    %cond3A = arith.constant 0 : i32
    %cond3A_59 = arith.cmpi ne, %convert_element_type3A, %cond3A : i32
    scf.if %cond3A_59 {
      %mul3A_64 = arith.constant 3120 : i32
      %mul3A_65 = arith.muli %arg1, %mul3A_64 : i32
      %multiple_of3A_66 = tpu.assume_multiple %mul3A_65, 8 : i32
      %add3A_67 = arith.addi %mul3A_0, %multiple_of3A_66 : i32
      "tpu.region"() ({
        %run_scoped3A = tpu.sem_alloc : memref<!tpu.dma_semaphore, #tpu.memory_space<semaphore_mem>>
        %dma_start3A_68 = arith.constant 0 : i32
        %dma_start3A_69 = tpu.memref_slice %arg6[%add3A_67, %dma_start3A_68] : memref<100000x16xf32, #tpu.memory_space<hbm>> -> memref<3120x16xf32, #tpu.memory_space<hbm>>
        %dma_start3A_70 = arith.constant 0 : i32
        %dma_start3A_71 = tpu.memref_slice %arg13[%multiple_of3A_66, %dma_start3A_70] : memref<52096x16xf32, #tpu.memory_space<vmem_shared>> -> memref<3120x16xf32, #tpu.memory_space<vmem_shared>>
        tpu.enqueue_dma source(%dma_start3A_71 : memref<3120x16xf32, #tpu.memory_space<vmem_shared>>) target(%dma_start3A_69 : memref<3120x16xf32, #tpu.memory_space<hbm>>) target_semaphore(%run_scoped3A : memref<!tpu.dma_semaphore, #tpu.memory_space<semaphore_mem>>)
        %dma_wait3A_72 = arith.constant 0 : i32
        %dma_wait3A_73 = tpu.memref_slice %arg6[%add3A_67, %dma_wait3A_72] : memref<100000x16xf32, #tpu.memory_space<hbm>> -> memref<3120x16xf32, #tpu.memory_space<hbm>>
        %dma_wait3A_74 = arith.constant 0 : i32
        %dma_wait3A_75 = tpu.memref_slice %arg13[%multiple_of3A_66, %dma_wait3A_74] : memref<52096x16xf32, #tpu.memory_space<vmem_shared>> -> memref<3120x16xf32, #tpu.memory_space<vmem_shared>>
        tpu.wait_dma2 semaphore(%run_scoped3A : memref<!tpu.dma_semaphore, #tpu.memory_space<semaphore_mem>>) src(%dma_wait3A_75 : memref<3120x16xf32, #tpu.memory_space<vmem_shared>>) dst(%dma_wait3A_73 : memref<3120x16xf32, #tpu.memory_space<hbm>>)
        tpu.yield
      }) : () -> ()
    } else {
    }
    %eq3A = arith.constant 15 : i32
    %eq3A_60 = arith.cmpi eq, %arg1, %eq3A : i32
    %convert_element_type3A_61 = arith.extui %eq3A_60 : i1 to i32
    %cond3A_62 = arith.constant 0 : i32
    %cond3A_63 = arith.cmpi ne, %convert_element_type3A_61, %cond3A_62 : i32
    scf.if %cond3A_63 {
      %add3A_64 = arith.constant 46800 : i32
      %add3A_65 = arith.addi %mul3A_0, %add3A_64 : i32
      "tpu.region"() ({
        %run_scoped3A = tpu.sem_alloc : memref<!tpu.dma_semaphore, #tpu.memory_space<semaphore_mem>>
        %dma_start3A_66 = arith.constant 0 : i32
        %dma_start3A_67 = tpu.memref_slice %arg6[%add3A_65, %dma_start3A_66] : memref<100000x16xf32, #tpu.memory_space<hbm>> -> memref<3200x16xf32, #tpu.memory_space<hbm>>
        %dma_start3A_68 = arith.constant 46800 : i32
        %dma_start3A_69 = arith.constant 0 : i32
        %dma_start3A_70 = tpu.memref_slice %arg13[%dma_start3A_68, %dma_start3A_69] : memref<52096x16xf32, #tpu.memory_space<vmem_shared>> -> memref<3200x16xf32, #tpu.memory_space<vmem_shared>>
        tpu.enqueue_dma source(%dma_start3A_70 : memref<3200x16xf32, #tpu.memory_space<vmem_shared>>) target(%dma_start3A_67 : memref<3200x16xf32, #tpu.memory_space<hbm>>) target_semaphore(%run_scoped3A : memref<!tpu.dma_semaphore, #tpu.memory_space<semaphore_mem>>)
        %dma_wait3A_71 = arith.constant 0 : i32
        %dma_wait3A_72 = tpu.memref_slice %arg6[%add3A_65, %dma_wait3A_71] : memref<100000x16xf32, #tpu.memory_space<hbm>> -> memref<3200x16xf32, #tpu.memory_space<hbm>>
        %dma_wait3A_73 = arith.constant 46800 : i32
        %dma_wait3A_74 = arith.constant 0 : i32
        %dma_wait3A_75 = tpu.memref_slice %arg13[%dma_wait3A_73, %dma_wait3A_74] : memref<52096x16xf32, #tpu.memory_space<vmem_shared>> -> memref<3200x16xf32, #tpu.memory_space<vmem_shared>>
        tpu.wait_dma2 semaphore(%run_scoped3A : memref<!tpu.dma_semaphore, #tpu.memory_space<semaphore_mem>>) src(%dma_wait3A_75 : memref<3200x16xf32, #tpu.memory_space<vmem_shared>>) dst(%dma_wait3A_72 : memref<3200x16xf32, #tpu.memory_space<hbm>>)
        tpu.yield
      }) : () -> ()
    } else {
    }
    return
  }
}

#map = affine_map<(d0, d1) -> (0, 0)>
#map1 = affine_map<(d0, d1) -> (0)>
module attributes {stable_mosaic.version = 14 : i64} {
  func.func @body(%arg0: i32, %arg1: i32, %arg2: memref<3256x32xf32, #tpu.memory_space<hbm>>, %arg3: memref<100000x32xf32, #tpu.memory_space<hbm>>, %arg4: memref<1600000xi32, #tpu.memory_space<hbm>>, %arg5: memref<1600000xi32, #tpu.memory_space<hbm>>, %arg6: memref<100000x32xf32, #tpu.memory_space<hbm>>, %arg7: memref<128xi32, #tpu.memory_space<vmem>>, %arg8: memref<128xi32, #tpu.memory_space<vmem>>, %arg9: memref<128x32xf32, #tpu.memory_space<vmem>>, %arg10: memref<32xi32, #tpu.memory_space<vmem>>, %arg11: memref<32xi32, #tpu.memory_space<vmem>>, %arg12: memref<32x32xf32, #tpu.memory_space<vmem>>, %arg13: memref<52096x32xf32, #tpu.memory_space<vmem_shared>>, %arg14: memref<!tpu.dma_semaphore, #tpu.memory_space<semaphore_mem>>) attributes {dimension_semantics = [#tpu.dimension_semantics<core_parallel>, #tpu.dimension_semantics<subcore_parallel>], iteration_bounds = array<i64: 2, 16>, scalar_prefetch = 0 : i64, scratch_operands = 8 : i64, tpu.core_type = #tpu.core_type<sc_vector_subcore>, window_params = [{transform_indices = #map}, {transform_indices = #map}, {transform_indices = #map1}, {transform_indices = #map1}, {transform_indices = #map}]} {
    %mul3A = arith.constant 50000 : i32
    %mul3A_0 = arith.muli %arg0, %mul3A : i32
    %mul3A_1 = arith.constant 3256 : i32
    %mul3A_2 = arith.muli %arg1, %mul3A_1 : i32
    "tpu.region"() ({
      %run_scoped3A = tpu.sem_alloc : memref<!tpu.dma_semaphore, #tpu.memory_space<semaphore_mem>>
      %dma_start3A_64 = arith.constant 0 : i32
      %dma_start3A_65 = tpu.memref_slice %arg13[%mul3A_2, %dma_start3A_64] : memref<52096x32xf32, #tpu.memory_space<vmem_shared>> -> memref<3256x32xf32, #tpu.memory_space<vmem_shared>>
      tpu.enqueue_dma source(%arg2 : memref<3256x32xf32, #tpu.memory_space<hbm>>) target(%dma_start3A_65 : memref<3256x32xf32, #tpu.memory_space<vmem_shared>>) target_semaphore(%run_scoped3A : memref<!tpu.dma_semaphore, #tpu.memory_space<semaphore_mem>>)
      %dma_wait3A_66 = arith.constant 0 : i32
      %dma_wait3A_67 = tpu.memref_slice %arg13[%mul3A_2, %dma_wait3A_66] : memref<52096x32xf32, #tpu.memory_space<vmem_shared>> -> memref<3256x32xf32, #tpu.memory_space<vmem_shared>>
      tpu.wait_dma2 semaphore(%run_scoped3A : memref<!tpu.dma_semaphore, #tpu.memory_space<semaphore_mem>>) src(%arg2 : memref<3256x32xf32, #tpu.memory_space<hbm>>) dst(%dma_wait3A_67 : memref<3256x32xf32, #tpu.memory_space<vmem_shared>>)
      tpu.yield
    }) : () -> ()
    %barrier3A = arith.constant 0 : index
    tpu.barrier barrier_id(%barrier3A)
    %mul3A_3 = arith.constant 100000 : i32
    %mul3A_4 = arith.muli %arg1, %mul3A_3 : i32
    %scan3A = arith.constant 0 : i32
    %scan3A_5 = arith.constant 0 : i32
    %scan3A_6 = arith.constant 781 : i32
    %scan3A_7 = arith.addi %scan3A_5, %scan3A_6 : i32
    %scan3A_8 = arith.constant 1 : i32
    scf.for %scan3A_64 = %scan3A_5 to %scan3A_7 step %scan3A_8  : i32 {
      %mul3A_65 = arith.constant 128 : i32
      %mul3A_66 = arith.muli %scan3A_64, %mul3A_65 : i32
      %add3A_67 = arith.addi %mul3A_4, %mul3A_66 : i32
      %multiple_of3A_68 = tpu.assume_multiple %add3A_67, 8 : i32
      "tpu.region"() ({
        %run_scoped3A = tpu.sem_alloc : memref<!tpu.dma_semaphore, #tpu.memory_space<semaphore_mem>>
        %dma_start3A_259 = tpu.memref_slice %arg4[%multiple_of3A_68] : memref<1600000xi32, #tpu.memory_space<hbm>> -> memref<128xi32, #tpu.memory_space<hbm>>
        %dma_start3A_260 = tpu.memref_slice %arg4[%multiple_of3A_68] : memref<1600000xi32, #tpu.memory_space<hbm>> -> memref<128xi32, #tpu.memory_space<hbm>>
        tpu.enqueue_dma source(%dma_start3A_260 : memref<128xi32, #tpu.memory_space<hbm>>) target(%arg7 : memref<128xi32, #tpu.memory_space<vmem>>) target_semaphore(%run_scoped3A : memref<!tpu.dma_semaphore, #tpu.memory_space<semaphore_mem>>)
        %dma_wait3A_261 = tpu.memref_slice %arg4[%multiple_of3A_68] : memref<1600000xi32, #tpu.memory_space<hbm>> -> memref<128xi32, #tpu.memory_space<hbm>>
        %dma_wait3A_262 = tpu.memref_slice %arg4[%multiple_of3A_68] : memref<1600000xi32, #tpu.memory_space<hbm>> -> memref<128xi32, #tpu.memory_space<hbm>>
        tpu.wait_dma2 semaphore(%run_scoped3A : memref<!tpu.dma_semaphore, #tpu.memory_space<semaphore_mem>>) src(%dma_wait3A_262 : memref<128xi32, #tpu.memory_space<hbm>>) dst(%arg7 : memref<128xi32, #tpu.memory_space<vmem>>)
        tpu.yield
      }) : () -> ()
      "tpu.region"() ({
        %run_scoped3A = tpu.sem_alloc : memref<!tpu.dma_semaphore, #tpu.memory_space<semaphore_mem>>
        %dma_start3A_259 = tpu.memref_slice %arg5[%multiple_of3A_68] : memref<1600000xi32, #tpu.memory_space<hbm>> -> memref<128xi32, #tpu.memory_space<hbm>>
        %dma_start3A_260 = tpu.memref_slice %arg5[%multiple_of3A_68] : memref<1600000xi32, #tpu.memory_space<hbm>> -> memref<128xi32, #tpu.memory_space<hbm>>
        tpu.enqueue_dma source(%dma_start3A_260 : memref<128xi32, #tpu.memory_space<hbm>>) target(%arg8 : memref<128xi32, #tpu.memory_space<vmem>>) target_semaphore(%run_scoped3A : memref<!tpu.dma_semaphore, #tpu.memory_space<semaphore_mem>>)
        %dma_wait3A_261 = tpu.memref_slice %arg5[%multiple_of3A_68] : memref<1600000xi32, #tpu.memory_space<hbm>> -> memref<128xi32, #tpu.memory_space<hbm>>
        %dma_wait3A_262 = tpu.memref_slice %arg5[%multiple_of3A_68] : memref<1600000xi32, #tpu.memory_space<hbm>> -> memref<128xi32, #tpu.memory_space<hbm>>
        tpu.wait_dma2 semaphore(%run_scoped3A : memref<!tpu.dma_semaphore, #tpu.memory_space<semaphore_mem>>) src(%dma_wait3A_262 : memref<128xi32, #tpu.memory_space<hbm>>) dst(%arg8 : memref<128xi32, #tpu.memory_space<vmem>>)
        tpu.yield
      }) : () -> ()
      %get3A_69 = arith.constant 0 : index
      %get3A_70 = tpu.vector_load %arg8[%get3A_69] {strides = array<i32>} : memref<128xi32, #tpu.memory_space<vmem>>, vector<16xi32>,
      %get3A_71 = vector.shape_cast %get3A_70 : vector<16xi32> to vector<16xi32>
      %ge3A_72 = vector.broadcast %mul3A_0 : i32 to vector<16xi32>
      %ge3A_73 = arith.cmpi sge, %get3A_71, %ge3A_72 : vector<16xi32>
      %add3A_74 = arith.constant 50000 : i32
      %add3A_75 = arith.addi %mul3A_0, %add3A_74 : i32
      %lt3A_76 = vector.broadcast %add3A_75 : i32 to vector<16xi32>
      %lt3A_77 = arith.cmpi slt, %get3A_71, %lt3A_76 : vector<16xi32>
      %and3A_78 = arith.andi %ge3A_73, %lt3A_77 : vector<16xi1>
      %sub3A_79 = vector.broadcast %mul3A_0 : i32 to vector<16xi32>
      %sub3A_80 = arith.subi %get3A_71, %sub3A_79 : vector<16xi32>
      %and3A_81 = arith.constant 2047 : i32
      %and3A_82 = vector.broadcast %and3A_81 : i32 to vector<16xi32>
      %and3A_83 = arith.andi %get3A_71, %and3A_82 : vector<16xi32>
      %add3A_84 = arith.constant 50000 : i32
      %add3A_85 = vector.broadcast %add3A_84 : i32 to vector<16xi32>
      %add3A_86 = arith.addi %add3A_85, %and3A_83 : vector<16xi32>
      %select_n3A_87 = arith.select %and3A_78, %sub3A_80, %add3A_86 : vector<16xi1>, vector<16xi32>
      %swap3A_88 = arith.constant 0 : index
      %swap3A_89 = tpu.vector_load %arg8[%swap3A_88] {strides = array<i32>} : memref<128xi32, #tpu.memory_space<vmem>>, vector<16xi32>,
      %swap3A_90 = vector.shape_cast %swap3A_89 : vector<16xi32> to vector<16xi32>
      %swap3A_91 = vector.shape_cast %select_n3A_87 : vector<16xi32> to vector<16xi32>
      tpu.vector_store %arg8[%swap3A_88], %swap3A_91 {strides = array<i32>} : memref<128xi32, #tpu.memory_space<vmem>>, vector<16xi32>,
      %get3A_92 = arith.constant 16 : index
      %get3A_93 = tpu.vector_load %arg8[%get3A_92] {strides = array<i32>} : memref<128xi32, #tpu.memory_space<vmem>>, vector<16xi32>,
      %get3A_94 = vector.shape_cast %get3A_93 : vector<16xi32> to vector<16xi32>
      %ge3A_95 = vector.broadcast %mul3A_0 : i32 to vector<16xi32>
      %ge3A_96 = arith.cmpi sge, %get3A_94, %ge3A_95 : vector<16xi32>
      %add3A_97 = arith.constant 50000 : i32
      %add3A_98 = arith.addi %mul3A_0, %add3A_97 : i32
      %lt3A_99 = vector.broadcast %add3A_98 : i32 to vector<16xi32>
      %lt3A_100 = arith.cmpi slt, %get3A_94, %lt3A_99 : vector<16xi32>
      %and3A_101 = arith.andi %ge3A_96, %lt3A_100 : vector<16xi1>
      %sub3A_102 = vector.broadcast %mul3A_0 : i32 to vector<16xi32>
      %sub3A_103 = arith.subi %get3A_94, %sub3A_102 : vector<16xi32>
      %and3A_104 = arith.constant 2047 : i32
      %and3A_105 = vector.broadcast %and3A_104 : i32 to vector<16xi32>
      %and3A_106 = arith.andi %get3A_94, %and3A_105 : vector<16xi32>
      %add3A_107 = arith.constant 50000 : i32
      %add3A_108 = vector.broadcast %add3A_107 : i32 to vector<16xi32>
      %add3A_109 = arith.addi %add3A_108, %and3A_106 : vector<16xi32>
      %select_n3A_110 = arith.select %and3A_101, %sub3A_103, %add3A_109 : vector<16xi1>, vector<16xi32>
      %swap3A_111 = arith.constant 16 : index
      %swap3A_112 = tpu.vector_load %arg8[%swap3A_111] {strides = array<i32>} : memref<128xi32, #tpu.memory_space<vmem>>, vector<16xi32>,
      %swap3A_113 = vector.shape_cast %swap3A_112 : vector<16xi32> to vector<16xi32>
      %swap3A_114 = vector.shape_cast %select_n3A_110 : vector<16xi32> to vector<16xi32>
      tpu.vector_store %arg8[%swap3A_111], %swap3A_114 {strides = array<i32>} : memref<128xi32, #tpu.memory_space<vmem>>, vector<16xi32>,
      %get3A_115 = arith.constant 32 : index
      %get3A_116 = tpu.vector_load %arg8[%get3A_115] {strides = array<i32>} : memref<128xi32, #tpu.memory_space<vmem>>, vector<16xi32>,
      %get3A_117 = vector.shape_cast %get3A_116 : vector<16xi32> to vector<16xi32>
      %ge3A_118 = vector.broadcast %mul3A_0 : i32 to vector<16xi32>
      %ge3A_119 = arith.cmpi sge, %get3A_117, %ge3A_118 : vector<16xi32>
      %add3A_120 = arith.constant 50000 : i32
      %add3A_121 = arith.addi %mul3A_0, %add3A_120 : i32
      %lt3A_122 = vector.broadcast %add3A_121 : i32 to vector<16xi32>
      %lt3A_123 = arith.cmpi slt, %get3A_117, %lt3A_122 : vector<16xi32>
      %and3A_124 = arith.andi %ge3A_119, %lt3A_123 : vector<16xi1>
      %sub3A_125 = vector.broadcast %mul3A_0 : i32 to vector<16xi32>
      %sub3A_126 = arith.subi %get3A_117, %sub3A_125 : vector<16xi32>
      %and3A_127 = arith.constant 2047 : i32
      %and3A_128 = vector.broadcast %and3A_127 : i32 to vector<16xi32>
      %and3A_129 = arith.andi %get3A_117, %and3A_128 : vector<16xi32>
      %add3A_130 = arith.constant 50000 : i32
      %add3A_131 = vector.broadcast %add3A_130 : i32 to vector<16xi32>
      %add3A_132 = arith.addi %add3A_131, %and3A_129 : vector<16xi32>
      %select_n3A_133 = arith.select %and3A_124, %sub3A_126, %add3A_132 : vector<16xi1>, vector<16xi32>
      %swap3A_134 = arith.constant 32 : index
      %swap3A_135 = tpu.vector_load %arg8[%swap3A_134] {strides = array<i32>} : memref<128xi32, #tpu.memory_space<vmem>>, vector<16xi32>,
      %swap3A_136 = vector.shape_cast %swap3A_135 : vector<16xi32> to vector<16xi32>
      %swap3A_137 = vector.shape_cast %select_n3A_133 : vector<16xi32> to vector<16xi32>
      tpu.vector_store %arg8[%swap3A_134], %swap3A_137 {strides = array<i32>} : memref<128xi32, #tpu.memory_space<vmem>>, vector<16xi32>,
      %get3A_138 = arith.constant 48 : index
      %get3A_139 = tpu.vector_load %arg8[%get3A_138] {strides = array<i32>} : memref<128xi32, #tpu.memory_space<vmem>>, vector<16xi32>,
      %get3A_140 = vector.shape_cast %get3A_139 : vector<16xi32> to vector<16xi32>
      %ge3A_141 = vector.broadcast %mul3A_0 : i32 to vector<16xi32>
      %ge3A_142 = arith.cmpi sge, %get3A_140, %ge3A_141 : vector<16xi32>
      %add3A_143 = arith.constant 50000 : i32
      %add3A_144 = arith.addi %mul3A_0, %add3A_143 : i32
      %lt3A_145 = vector.broadcast %add3A_144 : i32 to vector<16xi32>
      %lt3A_146 = arith.cmpi slt, %get3A_140, %lt3A_145 : vector<16xi32>
      %and3A_147 = arith.andi %ge3A_142, %lt3A_146 : vector<16xi1>
      %sub3A_148 = vector.broadcast %mul3A_0 : i32 to vector<16xi32>
      %sub3A_149 = arith.subi %get3A_140, %sub3A_148 : vector<16xi32>
      %and3A_150 = arith.constant 2047 : i32
      %and3A_151 = vector.broadcast %and3A_150 : i32 to vector<16xi32>
      %and3A_152 = arith.andi %get3A_140, %and3A_151 : vector<16xi32>
      %add3A_153 = arith.constant 50000 : i32
      %add3A_154 = vector.broadcast %add3A_153 : i32 to vector<16xi32>
      %add3A_155 = arith.addi %add3A_154, %and3A_152 : vector<16xi32>
      %select_n3A_156 = arith.select %and3A_147, %sub3A_149, %add3A_155 : vector<16xi1>, vector<16xi32>
      %swap3A_157 = arith.constant 48 : index
      %swap3A_158 = tpu.vector_load %arg8[%swap3A_157] {strides = array<i32>} : memref<128xi32, #tpu.memory_space<vmem>>, vector<16xi32>,
      %swap3A_159 = vector.shape_cast %swap3A_158 : vector<16xi32> to vector<16xi32>
      %swap3A_160 = vector.shape_cast %select_n3A_156 : vector<16xi32> to vector<16xi32>
      tpu.vector_store %arg8[%swap3A_157], %swap3A_160 {strides = array<i32>} : memref<128xi32, #tpu.memory_space<vmem>>, vector<16xi32>,
      %get3A_161 = arith.constant 64 : index
      %get3A_162 = tpu.vector_load %arg8[%get3A_161] {strides = array<i32>} : memref<128xi32, #tpu.memory_space<vmem>>, vector<16xi32>,
      %get3A_163 = vector.shape_cast %get3A_162 : vector<16xi32> to vector<16xi32>
      %ge3A_164 = vector.broadcast %mul3A_0 : i32 to vector<16xi32>
      %ge3A_165 = arith.cmpi sge, %get3A_163, %ge3A_164 : vector<16xi32>
      %add3A_166 = arith.constant 50000 : i32
      %add3A_167 = arith.addi %mul3A_0, %add3A_166 : i32
      %lt3A_168 = vector.broadcast %add3A_167 : i32 to vector<16xi32>
      %lt3A_169 = arith.cmpi slt, %get3A_163, %lt3A_168 : vector<16xi32>
      %and3A_170 = arith.andi %ge3A_165, %lt3A_169 : vector<16xi1>
      %sub3A_171 = vector.broadcast %mul3A_0 : i32 to vector<16xi32>
      %sub3A_172 = arith.subi %get3A_163, %sub3A_171 : vector<16xi32>
      %and3A_173 = arith.constant 2047 : i32
      %and3A_174 = vector.broadcast %and3A_173 : i32 to vector<16xi32>
      %and3A_175 = arith.andi %get3A_163, %and3A_174 : vector<16xi32>
      %add3A_176 = arith.constant 50000 : i32
      %add3A_177 = vector.broadcast %add3A_176 : i32 to vector<16xi32>
      %add3A_178 = arith.addi %add3A_177, %and3A_175 : vector<16xi32>
      %select_n3A_179 = arith.select %and3A_170, %sub3A_172, %add3A_178 : vector<16xi1>, vector<16xi32>
      %swap3A_180 = arith.constant 64 : index
      %swap3A_181 = tpu.vector_load %arg8[%swap3A_180] {strides = array<i32>} : memref<128xi32, #tpu.memory_space<vmem>>, vector<16xi32>,
      %swap3A_182 = vector.shape_cast %swap3A_181 : vector<16xi32> to vector<16xi32>
      %swap3A_183 = vector.shape_cast %select_n3A_179 : vector<16xi32> to vector<16xi32>
      tpu.vector_store %arg8[%swap3A_180], %swap3A_183 {strides = array<i32>} : memref<128xi32, #tpu.memory_space<vmem>>, vector<16xi32>,
      %get3A_184 = arith.constant 80 : index
      %get3A_185 = tpu.vector_load %arg8[%get3A_184] {strides = array<i32>} : memref<128xi32, #tpu.memory_space<vmem>>, vector<16xi32>,
      %get3A_186 = vector.shape_cast %get3A_185 : vector<16xi32> to vector<16xi32>
      %ge3A_187 = vector.broadcast %mul3A_0 : i32 to vector<16xi32>
      %ge3A_188 = arith.cmpi sge, %get3A_186, %ge3A_187 : vector<16xi32>
      %add3A_189 = arith.constant 50000 : i32
      %add3A_190 = arith.addi %mul3A_0, %add3A_189 : i32
      %lt3A_191 = vector.broadcast %add3A_190 : i32 to vector<16xi32>
      %lt3A_192 = arith.cmpi slt, %get3A_186, %lt3A_191 : vector<16xi32>
      %and3A_193 = arith.andi %ge3A_188, %lt3A_192 : vector<16xi1>
      %sub3A_194 = vector.broadcast %mul3A_0 : i32 to vector<16xi32>
      %sub3A_195 = arith.subi %get3A_186, %sub3A_194 : vector<16xi32>
      %and3A_196 = arith.constant 2047 : i32
      %and3A_197 = vector.broadcast %and3A_196 : i32 to vector<16xi32>
      %and3A_198 = arith.andi %get3A_186, %and3A_197 : vector<16xi32>
      %add3A_199 = arith.constant 50000 : i32
      %add3A_200 = vector.broadcast %add3A_199 : i32 to vector<16xi32>
      %add3A_201 = arith.addi %add3A_200, %and3A_198 : vector<16xi32>
      %select_n3A_202 = arith.select %and3A_193, %sub3A_195, %add3A_201 : vector<16xi1>, vector<16xi32>
      %swap3A_203 = arith.constant 80 : index
      %swap3A_204 = tpu.vector_load %arg8[%swap3A_203] {strides = array<i32>} : memref<128xi32, #tpu.memory_space<vmem>>, vector<16xi32>,
      %swap3A_205 = vector.shape_cast %swap3A_204 : vector<16xi32> to vector<16xi32>
      %swap3A_206 = vector.shape_cast %select_n3A_202 : vector<16xi32> to vector<16xi32>
      tpu.vector_store %arg8[%swap3A_203], %swap3A_206 {strides = array<i32>} : memref<128xi32, #tpu.memory_space<vmem>>, vector<16xi32>,
      %get3A_207 = arith.constant 96 : index
      %get3A_208 = tpu.vector_load %arg8[%get3A_207] {strides = array<i32>} : memref<128xi32, #tpu.memory_space<vmem>>, vector<16xi32>,
      %get3A_209 = vector.shape_cast %get3A_208 : vector<16xi32> to vector<16xi32>
      %ge3A_210 = vector.broadcast %mul3A_0 : i32 to vector<16xi32>
      %ge3A_211 = arith.cmpi sge, %get3A_209, %ge3A_210 : vector<16xi32>
      %add3A_212 = arith.constant 50000 : i32
      %add3A_213 = arith.addi %mul3A_0, %add3A_212 : i32
      %lt3A_214 = vector.broadcast %add3A_213 : i32 to vector<16xi32>
      %lt3A_215 = arith.cmpi slt, %get3A_209, %lt3A_214 : vector<16xi32>
      %and3A_216 = arith.andi %ge3A_211, %lt3A_215 : vector<16xi1>
      %sub3A_217 = vector.broadcast %mul3A_0 : i32 to vector<16xi32>
      %sub3A_218 = arith.subi %get3A_209, %sub3A_217 : vector<16xi32>
      %and3A_219 = arith.constant 2047 : i32
      %and3A_220 = vector.broadcast %and3A_219 : i32 to vector<16xi32>
      %and3A_221 = arith.andi %get3A_209, %and3A_220 : vector<16xi32>
      %add3A_222 = arith.constant 50000 : i32
      %add3A_223 = vector.broadcast %add3A_222 : i32 to vector<16xi32>
      %add3A_224 = arith.addi %add3A_223, %and3A_221 : vector<16xi32>
      %select_n3A_225 = arith.select %and3A_216, %sub3A_218, %add3A_224 : vector<16xi1>, vector<16xi32>
      %swap3A_226 = arith.constant 96 : index
      %swap3A_227 = tpu.vector_load %arg8[%swap3A_226] {strides = array<i32>} : memref<128xi32, #tpu.memory_space<vmem>>, vector<16xi32>,
      %swap3A_228 = vector.shape_cast %swap3A_227 : vector<16xi32> to vector<16xi32>
      %swap3A_229 = vector.shape_cast %select_n3A_225 : vector<16xi32> to vector<16xi32>
      tpu.vector_store %arg8[%swap3A_226], %swap3A_229 {strides = array<i32>} : memref<128xi32, #tpu.memory_space<vmem>>, vector<16xi32>,
      %get3A_230 = arith.constant 112 : index
      %get3A_231 = tpu.vector_load %arg8[%get3A_230] {strides = array<i32>} : memref<128xi32, #tpu.memory_space<vmem>>, vector<16xi32>,
      %get3A_232 = vector.shape_cast %get3A_231 : vector<16xi32> to vector<16xi32>
      %ge3A_233 = vector.broadcast %mul3A_0 : i32 to vector<16xi32>
      %ge3A_234 = arith.cmpi sge, %get3A_232, %ge3A_233 : vector<16xi32>
      %add3A_235 = arith.constant 50000 : i32
      %add3A_236 = arith.addi %mul3A_0, %add3A_235 : i32
      %lt3A_237 = vector.broadcast %add3A_236 : i32 to vector<16xi32>
      %lt3A_238 = arith.cmpi slt, %get3A_232, %lt3A_237 : vector<16xi32>
      %and3A_239 = arith.andi %ge3A_234, %lt3A_238 : vector<16xi1>
      %sub3A_240 = vector.broadcast %mul3A_0 : i32 to vector<16xi32>
      %sub3A_241 = arith.subi %get3A_232, %sub3A_240 : vector<16xi32>
      %and3A_242 = arith.constant 2047 : i32
      %and3A_243 = vector.broadcast %and3A_242 : i32 to vector<16xi32>
      %and3A_244 = arith.andi %get3A_232, %and3A_243 : vector<16xi32>
      %add3A_245 = arith.constant 50000 : i32
      %add3A_246 = vector.broadcast %add3A_245 : i32 to vector<16xi32>
      %add3A_247 = arith.addi %add3A_246, %and3A_244 : vector<16xi32>
      %select_n3A_248 = arith.select %and3A_239, %sub3A_241, %add3A_247 : vector<16xi1>, vector<16xi32>
      %swap3A_249 = arith.constant 112 : index
      %swap3A_250 = tpu.vector_load %arg8[%swap3A_249] {strides = array<i32>} : memref<128xi32, #tpu.memory_space<vmem>>, vector<16xi32>,
      %swap3A_251 = vector.shape_cast %swap3A_250 : vector<16xi32> to vector<16xi32>
      %swap3A_252 = vector.shape_cast %select_n3A_248 : vector<16xi32> to vector<16xi32>
      tpu.vector_store %arg8[%swap3A_249], %swap3A_252 {strides = array<i32>} : memref<128xi32, #tpu.memory_space<vmem>>, vector<16xi32>,
      %dma_start3A_253 = arith.constant 0 : i32
      %dma_start3A_254 = arith.constant 0 : i32
      %dma_start3A_255 = tpu.memref_slice %arg3[%dma_start3A_253, %dma_start3A_254] : memref<100000x32xf32, #tpu.memory_space<hbm>> -> memref<100000x32xf32, #tpu.memory_space<hbm>>
      tpu.enqueue_indirect_dma source(%dma_start3A_255 : memref<100000x32xf32, #tpu.memory_space<hbm>>) target(%arg9 : memref<128x32xf32, #tpu.memory_space<vmem>>) offsets(%arg7 : memref<128xi32, #tpu.memory_space<vmem>>) semaphore(%arg14 : memref<!tpu.dma_semaphore, #tpu.memory_space<semaphore_mem>>)
      %dma_wait3A_256 = arith.constant 0 : i32
      %dma_wait3A_257 = arith.constant 0 : i32
      %dma_wait3A_258 = tpu.memref_slice %arg3[%dma_wait3A_256, %dma_wait3A_257] : memref<100000x32xf32, #tpu.memory_space<hbm>> -> memref<100000x32xf32, #tpu.memory_space<hbm>>
      tpu.wait_indirect_dma semaphore(%arg14 : memref<!tpu.dma_semaphore, #tpu.memory_space<semaphore_mem>>) src(%dma_wait3A_258 : memref<100000x32xf32, #tpu.memory_space<hbm>>) dst(%arg9 : memref<128x32xf32, #tpu.memory_space<vmem>>)
      "tpu.region"() ({
        %run_scoped3A = tpu.sem_alloc : memref<!tpu.dma_semaphore, #tpu.memory_space<semaphore_mem>>
        %dma_start3A_259 = arith.constant 0 : i32
        %dma_start3A_260 = arith.constant 0 : i32
        %dma_start3A_261 = tpu.memref_slice %arg13[%dma_start3A_259, %dma_start3A_260] : memref<52096x32xf32, #tpu.memory_space<vmem_shared>> -> memref<52096x32xf32, #tpu.memory_space<vmem_shared>>
        tpu.enqueue_indirect_dma source(%arg9 : memref<128x32xf32, #tpu.memory_space<vmem>>) target(%dma_start3A_261 : memref<52096x32xf32, #tpu.memory_space<vmem_shared>>) offsets(%arg8 : memref<128xi32, #tpu.memory_space<vmem>>) semaphore(%run_scoped3A : memref<!tpu.dma_semaphore, #tpu.memory_space<semaphore_mem>>) {add = true}
        %dma_wait3A_262 = arith.constant 0 : i32
        %dma_wait3A_263 = arith.constant 0 : i32
        %dma_wait3A_264 = tpu.memref_slice %arg13[%dma_wait3A_262, %dma_wait3A_263] : memref<52096x32xf32, #tpu.memory_space<vmem_shared>> -> memref<52096x32xf32, #tpu.memory_space<vmem_shared>>
        tpu.wait_indirect_dma semaphore(%run_scoped3A : memref<!tpu.dma_semaphore, #tpu.memory_space<semaphore_mem>>) src(%arg9 : memref<128x32xf32, #tpu.memory_space<vmem>>) dst(%dma_wait3A_264 : memref<52096x32xf32, #tpu.memory_space<vmem_shared>>)
        tpu.yield
      }) : () -> ()
    }
    %scan3A_9 = arith.constant 781 : i32
    %add3A = arith.constant 99968 : i32
    %add3A_10 = arith.addi %mul3A_4, %add3A : i32
    %multiple_of3A = tpu.assume_multiple %add3A_10, 8 : i32
    "tpu.region"() ({
      %run_scoped3A = tpu.sem_alloc : memref<!tpu.dma_semaphore, #tpu.memory_space<semaphore_mem>>
      %dma_start3A_64 = tpu.memref_slice %arg4[%multiple_of3A] : memref<1600000xi32, #tpu.memory_space<hbm>> -> memref<32xi32, #tpu.memory_space<hbm>>
      %dma_start3A_65 = tpu.memref_slice %arg4[%multiple_of3A] : memref<1600000xi32, #tpu.memory_space<hbm>> -> memref<32xi32, #tpu.memory_space<hbm>>
      tpu.enqueue_dma source(%dma_start3A_65 : memref<32xi32, #tpu.memory_space<hbm>>) target(%arg10 : memref<32xi32, #tpu.memory_space<vmem>>) target_semaphore(%run_scoped3A : memref<!tpu.dma_semaphore, #tpu.memory_space<semaphore_mem>>)
      %dma_wait3A_66 = tpu.memref_slice %arg4[%multiple_of3A] : memref<1600000xi32, #tpu.memory_space<hbm>> -> memref<32xi32, #tpu.memory_space<hbm>>
      %dma_wait3A_67 = tpu.memref_slice %arg4[%multiple_of3A] : memref<1600000xi32, #tpu.memory_space<hbm>> -> memref<32xi32, #tpu.memory_space<hbm>>
      tpu.wait_dma2 semaphore(%run_scoped3A : memref<!tpu.dma_semaphore, #tpu.memory_space<semaphore_mem>>) src(%dma_wait3A_67 : memref<32xi32, #tpu.memory_space<hbm>>) dst(%arg10 : memref<32xi32, #tpu.memory_space<vmem>>)
      tpu.yield
    }) : () -> ()
    "tpu.region"() ({
      %run_scoped3A = tpu.sem_alloc : memref<!tpu.dma_semaphore, #tpu.memory_space<semaphore_mem>>
      %dma_start3A_64 = tpu.memref_slice %arg5[%multiple_of3A] : memref<1600000xi32, #tpu.memory_space<hbm>> -> memref<32xi32, #tpu.memory_space<hbm>>
      %dma_start3A_65 = tpu.memref_slice %arg5[%multiple_of3A] : memref<1600000xi32, #tpu.memory_space<hbm>> -> memref<32xi32, #tpu.memory_space<hbm>>
      tpu.enqueue_dma source(%dma_start3A_65 : memref<32xi32, #tpu.memory_space<hbm>>) target(%arg11 : memref<32xi32, #tpu.memory_space<vmem>>) target_semaphore(%run_scoped3A : memref<!tpu.dma_semaphore, #tpu.memory_space<semaphore_mem>>)
      %dma_wait3A_66 = tpu.memref_slice %arg5[%multiple_of3A] : memref<1600000xi32, #tpu.memory_space<hbm>> -> memref<32xi32, #tpu.memory_space<hbm>>
      %dma_wait3A_67 = tpu.memref_slice %arg5[%multiple_of3A] : memref<1600000xi32, #tpu.memory_space<hbm>> -> memref<32xi32, #tpu.memory_space<hbm>>
      tpu.wait_dma2 semaphore(%run_scoped3A : memref<!tpu.dma_semaphore, #tpu.memory_space<semaphore_mem>>) src(%dma_wait3A_67 : memref<32xi32, #tpu.memory_space<hbm>>) dst(%arg11 : memref<32xi32, #tpu.memory_space<vmem>>)
      tpu.yield
    }) : () -> ()
    %get3A = arith.constant 0 : index
    %get3A_11 = tpu.vector_load %arg11[%get3A] {strides = array<i32>} : memref<32xi32, #tpu.memory_space<vmem>>, vector<16xi32>,
    %get3A_12 = vector.shape_cast %get3A_11 : vector<16xi32> to vector<16xi32>
    %ge3A = vector.broadcast %mul3A_0 : i32 to vector<16xi32>
    %ge3A_13 = arith.cmpi sge, %get3A_12, %ge3A : vector<16xi32>
    %add3A_14 = arith.constant 50000 : i32
    %add3A_15 = arith.addi %mul3A_0, %add3A_14 : i32
    %lt3A = vector.broadcast %add3A_15 : i32 to vector<16xi32>
    %lt3A_16 = arith.cmpi slt, %get3A_12, %lt3A : vector<16xi32>
    %and3A = arith.andi %ge3A_13, %lt3A_16 : vector<16xi1>
    %sub3A = vector.broadcast %mul3A_0 : i32 to vector<16xi32>
    %sub3A_17 = arith.subi %get3A_12, %sub3A : vector<16xi32>
    %and3A_18 = arith.constant 2047 : i32
    %and3A_19 = vector.broadcast %and3A_18 : i32 to vector<16xi32>
    %and3A_20 = arith.andi %get3A_12, %and3A_19 : vector<16xi32>
    %add3A_21 = arith.constant 50000 : i32
    %add3A_22 = vector.broadcast %add3A_21 : i32 to vector<16xi32>
    %add3A_23 = arith.addi %add3A_22, %and3A_20 : vector<16xi32>
    %select_n3A = arith.select %and3A, %sub3A_17, %add3A_23 : vector<16xi1>, vector<16xi32>
    %swap3A = arith.constant 0 : index
    %swap3A_24 = tpu.vector_load %arg11[%swap3A] {strides = array<i32>} : memref<32xi32, #tpu.memory_space<vmem>>, vector<16xi32>,
    %swap3A_25 = vector.shape_cast %swap3A_24 : vector<16xi32> to vector<16xi32>
    %swap3A_26 = vector.shape_cast %select_n3A : vector<16xi32> to vector<16xi32>
    tpu.vector_store %arg11[%swap3A], %swap3A_26 {strides = array<i32>} : memref<32xi32, #tpu.memory_space<vmem>>, vector<16xi32>,
    %get3A_27 = arith.constant 16 : index
    %get3A_28 = tpu.vector_load %arg11[%get3A_27] {strides = array<i32>} : memref<32xi32, #tpu.memory_space<vmem>>, vector<16xi32>,
    %get3A_29 = vector.shape_cast %get3A_28 : vector<16xi32> to vector<16xi32>
    %ge3A_30 = vector.broadcast %mul3A_0 : i32 to vector<16xi32>
    %ge3A_31 = arith.cmpi sge, %get3A_29, %ge3A_30 : vector<16xi32>
    %add3A_32 = arith.constant 50000 : i32
    %add3A_33 = arith.addi %mul3A_0, %add3A_32 : i32
    %lt3A_34 = vector.broadcast %add3A_33 : i32 to vector<16xi32>
    %lt3A_35 = arith.cmpi slt, %get3A_29, %lt3A_34 : vector<16xi32>
    %and3A_36 = arith.andi %ge3A_31, %lt3A_35 : vector<16xi1>
    %sub3A_37 = vector.broadcast %mul3A_0 : i32 to vector<16xi32>
    %sub3A_38 = arith.subi %get3A_29, %sub3A_37 : vector<16xi32>
    %and3A_39 = arith.constant 2047 : i32
    %and3A_40 = vector.broadcast %and3A_39 : i32 to vector<16xi32>
    %and3A_41 = arith.andi %get3A_29, %and3A_40 : vector<16xi32>
    %add3A_42 = arith.constant 50000 : i32
    %add3A_43 = vector.broadcast %add3A_42 : i32 to vector<16xi32>
    %add3A_44 = arith.addi %add3A_43, %and3A_41 : vector<16xi32>
    %select_n3A_45 = arith.select %and3A_36, %sub3A_38, %add3A_44 : vector<16xi1>, vector<16xi32>
    %swap3A_46 = arith.constant 16 : index
    %swap3A_47 = tpu.vector_load %arg11[%swap3A_46] {strides = array<i32>} : memref<32xi32, #tpu.memory_space<vmem>>, vector<16xi32>,
    %swap3A_48 = vector.shape_cast %swap3A_47 : vector<16xi32> to vector<16xi32>
    %swap3A_49 = vector.shape_cast %select_n3A_45 : vector<16xi32> to vector<16xi32>
    tpu.vector_store %arg11[%swap3A_46], %swap3A_49 {strides = array<i32>} : memref<32xi32, #tpu.memory_space<vmem>>, vector<16xi32>,
    %dma_start3A = arith.constant 0 : i32
    %dma_start3A_50 = arith.constant 0 : i32
    %dma_start3A_51 = tpu.memref_slice %arg3[%dma_start3A, %dma_start3A_50] : memref<100000x32xf32, #tpu.memory_space<hbm>> -> memref<100000x32xf32, #tpu.memory_space<hbm>>
    tpu.enqueue_indirect_dma source(%dma_start3A_51 : memref<100000x32xf32, #tpu.memory_space<hbm>>) target(%arg12 : memref<32x32xf32, #tpu.memory_space<vmem>>) offsets(%arg10 : memref<32xi32, #tpu.memory_space<vmem>>) semaphore(%arg14 : memref<!tpu.dma_semaphore, #tpu.memory_space<semaphore_mem>>)
    %dma_wait3A = arith.constant 0 : i32
    %dma_wait3A_52 = arith.constant 0 : i32
    %dma_wait3A_53 = tpu.memref_slice %arg3[%dma_wait3A, %dma_wait3A_52] : memref<100000x32xf32, #tpu.memory_space<hbm>> -> memref<100000x32xf32, #tpu.memory_space<hbm>>
    tpu.wait_indirect_dma semaphore(%arg14 : memref<!tpu.dma_semaphore, #tpu.memory_space<semaphore_mem>>) src(%dma_wait3A_53 : memref<100000x32xf32, #tpu.memory_space<hbm>>) dst(%arg12 : memref<32x32xf32, #tpu.memory_space<vmem>>)
    "tpu.region"() ({
      %run_scoped3A = tpu.sem_alloc : memref<!tpu.dma_semaphore, #tpu.memory_space<semaphore_mem>>
      %dma_start3A_64 = arith.constant 0 : i32
      %dma_start3A_65 = arith.constant 0 : i32
      %dma_start3A_66 = tpu.memref_slice %arg13[%dma_start3A_64, %dma_start3A_65] : memref<52096x32xf32, #tpu.memory_space<vmem_shared>> -> memref<52096x32xf32, #tpu.memory_space<vmem_shared>>
      tpu.enqueue_indirect_dma source(%arg12 : memref<32x32xf32, #tpu.memory_space<vmem>>) target(%dma_start3A_66 : memref<52096x32xf32, #tpu.memory_space<vmem_shared>>) offsets(%arg11 : memref<32xi32, #tpu.memory_space<vmem>>) semaphore(%run_scoped3A : memref<!tpu.dma_semaphore, #tpu.memory_space<semaphore_mem>>) {add = true}
      %dma_wait3A_67 = arith.constant 0 : i32
      %dma_wait3A_68 = arith.constant 0 : i32
      %dma_wait3A_69 = tpu.memref_slice %arg13[%dma_wait3A_67, %dma_wait3A_68] : memref<52096x32xf32, #tpu.memory_space<vmem_shared>> -> memref<52096x32xf32, #tpu.memory_space<vmem_shared>>
      tpu.wait_indirect_dma semaphore(%run_scoped3A : memref<!tpu.dma_semaphore, #tpu.memory_space<semaphore_mem>>) src(%arg12 : memref<32x32xf32, #tpu.memory_space<vmem>>) dst(%dma_wait3A_69 : memref<52096x32xf32, #tpu.memory_space<vmem_shared>>)
      tpu.yield
    }) : () -> ()
    %barrier3A_54 = arith.constant 0 : index
    tpu.barrier barrier_id(%barrier3A_54)
    %barrier3A_55 = arith.constant 0 : index
    tpu.barrier barrier_id(%barrier3A_55)
    %barrier3A_56 = arith.constant 0 : index
    tpu.barrier barrier_id(%barrier3A_56)
    %lt3A_57 = arith.constant 15 : i32
    %lt3A_58 = arith.cmpi slt, %arg1, %lt3A_57 : i32
    %convert_element_type3A = arith.extui %lt3A_58 : i1 to i32
    %cond3A = arith.constant 0 : i32
    %cond3A_59 = arith.cmpi ne, %convert_element_type3A, %cond3A : i32
    scf.if %cond3A_59 {
      %mul3A_64 = arith.constant 3120 : i32
      %mul3A_65 = arith.muli %arg1, %mul3A_64 : i32
      %multiple_of3A_66 = tpu.assume_multiple %mul3A_65, 8 : i32
      %add3A_67 = arith.addi %mul3A_0, %multiple_of3A_66 : i32
      "tpu.region"() ({
        %run_scoped3A = tpu.sem_alloc : memref<!tpu.dma_semaphore, #tpu.memory_space<semaphore_mem>>
        %dma_start3A_68 = arith.constant 0 : i32
        %dma_start3A_69 = tpu.memref_slice %arg6[%add3A_67, %dma_start3A_68] : memref<100000x32xf32, #tpu.memory_space<hbm>> -> memref<3120x32xf32, #tpu.memory_space<hbm>>
        %dma_start3A_70 = arith.constant 0 : i32
        %dma_start3A_71 = tpu.memref_slice %arg13[%multiple_of3A_66, %dma_start3A_70] : memref<52096x32xf32, #tpu.memory_space<vmem_shared>> -> memref<3120x32xf32, #tpu.memory_space<vmem_shared>>
        tpu.enqueue_dma source(%dma_start3A_71 : memref<3120x32xf32, #tpu.memory_space<vmem_shared>>) target(%dma_start3A_69 : memref<3120x32xf32, #tpu.memory_space<hbm>>) target_semaphore(%run_scoped3A : memref<!tpu.dma_semaphore, #tpu.memory_space<semaphore_mem>>)
        %dma_wait3A_72 = arith.constant 0 : i32
        %dma_wait3A_73 = tpu.memref_slice %arg6[%add3A_67, %dma_wait3A_72] : memref<100000x32xf32, #tpu.memory_space<hbm>> -> memref<3120x32xf32, #tpu.memory_space<hbm>>
        %dma_wait3A_74 = arith.constant 0 : i32
        %dma_wait3A_75 = tpu.memref_slice %arg13[%multiple_of3A_66, %dma_wait3A_74] : memref<52096x32xf32, #tpu.memory_space<vmem_shared>> -> memref<3120x32xf32, #tpu.memory_space<vmem_shared>>
        tpu.wait_dma2 semaphore(%run_scoped3A : memref<!tpu.dma_semaphore, #tpu.memory_space<semaphore_mem>>) src(%dma_wait3A_75 : memref<3120x32xf32, #tpu.memory_space<vmem_shared>>) dst(%dma_wait3A_73 : memref<3120x32xf32, #tpu.memory_space<hbm>>)
        tpu.yield
      }) : () -> ()
    } else {
    }
    %eq3A = arith.constant 15 : i32
    %eq3A_60 = arith.cmpi eq, %arg1, %eq3A : i32
    %convert_element_type3A_61 = arith.extui %eq3A_60 : i1 to i32
    %cond3A_62 = arith.constant 0 : i32
    %cond3A_63 = arith.cmpi ne, %convert_element_type3A_61, %cond3A_62 : i32
    scf.if %cond3A_63 {
      %add3A_64 = arith.constant 46800 : i32
      %add3A_65 = arith.addi %mul3A_0, %add3A_64 : i32
      "tpu.region"() ({
        %run_scoped3A = tpu.sem_alloc : memref<!tpu.dma_semaphore, #tpu.memory_space<semaphore_mem>>
        %dma_start3A_66 = arith.constant 0 : i32
        %dma_start3A_67 = tpu.memref_slice %arg6[%add3A_65, %dma_start3A_66] : memref<100000x32xf32, #tpu.memory_space<hbm>> -> memref<3200x32xf32, #tpu.memory_space<hbm>>
        %dma_start3A_68 = arith.constant 46800 : i32
        %dma_start3A_69 = arith.constant 0 : i32
        %dma_start3A_70 = tpu.memref_slice %arg13[%dma_start3A_68, %dma_start3A_69] : memref<52096x32xf32, #tpu.memory_space<vmem_shared>> -> memref<3200x32xf32, #tpu.memory_space<vmem_shared>>
        tpu.enqueue_dma source(%dma_start3A_70 : memref<3200x32xf32, #tpu.memory_space<vmem_shared>>) target(%dma_start3A_67 : memref<3200x32xf32, #tpu.memory_space<hbm>>) target_semaphore(%run_scoped3A : memref<!tpu.dma_semaphore, #tpu.memory_space<semaphore_mem>>)
        %dma_wait3A_71 = arith.constant 0 : i32
        %dma_wait3A_72 = tpu.memref_slice %arg6[%add3A_65, %dma_wait3A_71] : memref<100000x32xf32, #tpu.memory_space<hbm>> -> memref<3200x32xf32, #tpu.memory_space<hbm>>
        %dma_wait3A_73 = arith.constant 46800 : i32
        %dma_wait3A_74 = arith.constant 0 : i32
        %dma_wait3A_75 = tpu.memref_slice %arg13[%dma_wait3A_73, %dma_wait3A_74] : memref<52096x32xf32, #tpu.memory_space<vmem_shared>> -> memref<3200x32xf32, #tpu.memory_space<vmem_shared>>
        tpu.wait_dma2 semaphore(%run_scoped3A : memref<!tpu.dma_semaphore, #tpu.memory_space<semaphore_mem>>) src(%dma_wait3A_75 : memref<3200x32xf32, #tpu.memory_space<vmem_shared>>) dst(%dma_wait3A_72 : memref<3200x32xf32, #tpu.memory_space<hbm>>)
        tpu.yield
      }) : () -> ()
    } else {
    }
    return
  }
}

module attributes {stable_mosaic.version = 14 : i64} {
  func.func @body(%arg0: i32, %arg1: memref<2000x1xf32, #tpu.memory_space<vmem>>, %arg2: memref<2000x1xf32, #tpu.memory_space<vmem>>, %arg3: memref<1x64xf32, #tpu.memory_space<vmem>>, %arg4: memref<1x64xf32, #tpu.memory_space<vmem>>, %arg5: memref<1x64xf32, #tpu.memory_space<vmem>>, %arg6: memref<64x32xf32, #tpu.memory_space<vmem>>, %arg7: memref<1x32xf32, #tpu.memory_space<vmem>>, %arg8: memref<64x32xf32, #tpu.memory_space<vmem>>, %arg9: memref<2000x32xf32, #tpu.memory_space<vmem>>, %arg10: memref<2000x32xf32, #tpu.memory_space<vmem>>) attributes {dimension_semantics = [#tpu.dimension_semantics<arbitrary>], iteration_bounds = array<i64: 50>, scalar_prefetch = 0 : i64, scratch_operands = 0 : i64, tpu.core_type = #tpu.core_type<tc>, window_params = [{transform_indices = @transform_0, window_bounds = array<i64: 2000, 1>}, {transform_indices = @transform_1, window_bounds = array<i64: 2000, 1>}, {pipeline_mode = #tpu.pipeline_mode<synchronous>, transform_indices = @transform_2, window_bounds = array<i64: 1, 64>}, {pipeline_mode = #tpu.pipeline_mode<synchronous>, transform_indices = @transform_3, window_bounds = array<i64: 1, 64>}, {pipeline_mode = #tpu.pipeline_mode<synchronous>, transform_indices = @transform_4, window_bounds = array<i64: 1, 64>}, {pipeline_mode = #tpu.pipeline_mode<synchronous>, transform_indices = @transform_5, window_bounds = array<i64: 64, 32>}, {pipeline_mode = #tpu.pipeline_mode<synchronous>, transform_indices = @transform_6, window_bounds = array<i64: 1, 32>}, {pipeline_mode = #tpu.pipeline_mode<synchronous>, transform_indices = @transform_7, window_bounds = array<i64: 64, 32>}, {transform_indices = @transform_8, window_bounds = array<i64: 2000, 32>}, {transform_indices = @transform_9, window_bounds = array<i64: 2000, 32>}]} {
    %get3A = arith.constant 0 : index
    %get3A_0 = arith.constant 0 : index
    %get3A_1 = vector.load %arg1[%get3A, %get3A_0] : memref<2000x1xf32, #tpu.memory_space<vmem>>, vector<2000x1xf32>
    %get3A_2 = arith.constant 0 : index
    %get3A_3 = arith.constant 0 : index
    %get3A_4 = vector.load %arg2[%get3A_2, %get3A_3] : memref<2000x1xf32, #tpu.memory_space<vmem>>, vector<2000x1xf32>
    %get3A_5 = arith.constant 0 : index
    %get3A_6 = arith.constant 0 : index
    %get3A_7 = vector.load %arg3[%get3A_5, %get3A_6] : memref<1x64xf32, #tpu.memory_space<vmem>>, vector<1x64xf32>
    %mul3A = vector.broadcast %get3A_4 : vector<2000x1xf32> to vector<2000x64xf32>
    %mul3A_8 = vector.broadcast %get3A_7 : vector<1x64xf32> to vector<2000x64xf32>
    %mul3A_9 = arith.mulf %mul3A, %mul3A_8 : vector<2000x64xf32>
    %get3A_10 = arith.constant 0 : index
    %get3A_11 = arith.constant 0 : index
    %get3A_12 = vector.load %arg5[%get3A_10, %get3A_11] : memref<1x64xf32, #tpu.memory_space<vmem>>, vector<1x64xf32>
    %mul3A_13 = vector.broadcast %get3A_1 : vector<2000x1xf32> to vector<2000x64xf32>
    %mul3A_14 = vector.broadcast %get3A_12 : vector<1x64xf32> to vector<2000x64xf32>
    %mul3A_15 = arith.mulf %mul3A_13, %mul3A_14 : vector<2000x64xf32>
    %add3A = arith.addf %mul3A_9, %mul3A_15 : vector<2000x64xf32>
    %get3A_16 = arith.constant 0 : index
    %get3A_17 = arith.constant 0 : index
    %get3A_18 = vector.load %arg4[%get3A_16, %get3A_17] : memref<1x64xf32, #tpu.memory_space<vmem>>, vector<1x64xf32>
    %add3A_19 = vector.broadcast %get3A_18 : vector<1x64xf32> to vector<2000x64xf32>
    %add3A_20 = arith.addf %add3A, %add3A_19 : vector<2000x64xf32>
    %max3A = arith.constant 0.000000e+00 : f32
    %max3A_21 = vector.broadcast %max3A : f32 to vector<2000x64xf32>
    %max3A_22 = arith.maximumf %add3A_20, %max3A_21 : vector<2000x64xf32>
    %get3A_23 = arith.constant 0 : index
    %get3A_24 = arith.constant 0 : index
    %get3A_25 = vector.load %arg6[%get3A_23, %get3A_24] : memref<64x32xf32, #tpu.memory_space<vmem>>, vector<64x32xf32>
    %dot_general3A = arith.constant dense<0.000000e+00> : vector<2000x32xf32>
    %dot_general3A_26 = tpu.matmul %max3A_22, %get3A_25, %dot_general3A {dimension_numbers = #tpu.dot_dimension_numbers<[1], [0], [0], [1], [0, 0, 1, 1], [], []>, transpose_lhs_hint = false} : vector<2000x64xf32>, vector<64x32xf32>, vector<2000x32xf32> -> vector<2000x32xf32>
    %swap3A = arith.constant 0 : index
    %swap3A_27 = arith.constant 0 : index
    %swap3A_28 = vector.load %arg9[%swap3A, %swap3A_27] : memref<2000x32xf32, #tpu.memory_space<vmem>>, vector<2000x32xf32>
    tpu.vector_store %arg9[%swap3A, %swap3A_27], %dot_general3A_26 {strides = array<i32>} : memref<2000x32xf32, #tpu.memory_space<vmem>>, vector<2000x32xf32>,
    %get3A_29 = arith.constant 0 : index
    %get3A_30 = arith.constant 0 : index
    %get3A_31 = vector.load %arg8[%get3A_29, %get3A_30] : memref<64x32xf32, #tpu.memory_space<vmem>>, vector<64x32xf32>
    %dot_general3A_32 = arith.constant dense<0.000000e+00> : vector<2000x32xf32>
    %dot_general3A_33 = tpu.matmul %max3A_22, %get3A_31, %dot_general3A_32 {dimension_numbers = #tpu.dot_dimension_numbers<[1], [0], [0], [1], [0, 0, 1, 1], [], []>, transpose_lhs_hint = false} : vector<2000x64xf32>, vector<64x32xf32>, vector<2000x32xf32> -> vector<2000x32xf32>
    %get3A_34 = arith.constant 0 : index
    %get3A_35 = arith.constant 0 : index
    %get3A_36 = vector.load %arg7[%get3A_34, %get3A_35] : memref<1x32xf32, #tpu.memory_space<vmem>>, vector<1x32xf32>
    %add3A_37 = vector.broadcast %get3A_36 : vector<1x32xf32> to vector<2000x32xf32>
    %add3A_38 = arith.addf %dot_general3A_33, %add3A_37 : vector<2000x32xf32>
    %swap3A_39 = arith.constant 0 : index
    %swap3A_40 = arith.constant 0 : index
    %swap3A_41 = vector.load %arg10[%swap3A_39, %swap3A_40] : memref<2000x32xf32, #tpu.memory_space<vmem>>, vector<2000x32xf32>
    tpu.vector_store %arg10[%swap3A_39, %swap3A_40], %add3A_38 {strides = array<i32>} : memref<2000x32xf32, #tpu.memory_space<vmem>>, vector<2000x32xf32>,
    return
  }
  func.func @transform_0(%arg0: i32) -> (i32, i32) {
    %c0_i32 = arith.constant 0 : i32
    %c0_i32_0 = arith.constant 0 : i32
    return %arg0, %c0_i32 : i32, i32
  }
  func.func @transform_1(%arg0: i32) -> (i32, i32) {
    %c0_i32 = arith.constant 0 : i32
    %c0_i32_0 = arith.constant 0 : i32
    return %arg0, %c0_i32 : i32, i32
  }
  func.func @transform_2(%arg0: i32) -> (i32, i32) {
    %c0_i32 = arith.constant 0 : i32
    %c0_i32_0 = arith.constant 0 : i32
    %c0_i32_1 = arith.constant 0 : i32
    return %c0_i32, %c0_i32_0 : i32, i32
  }
  func.func @transform_3(%arg0: i32) -> (i32, i32) {
    %c0_i32 = arith.constant 0 : i32
    %c0_i32_0 = arith.constant 0 : i32
    %c0_i32_1 = arith.constant 0 : i32
    return %c0_i32, %c0_i32_0 : i32, i32
  }
  func.func @transform_4(%arg0: i32) -> (i32, i32) {
    %c0_i32 = arith.constant 0 : i32
    %c0_i32_0 = arith.constant 0 : i32
    %c0_i32_1 = arith.constant 0 : i32
    return %c0_i32, %c0_i32_0 : i32, i32
  }
  func.func @transform_5(%arg0: i32) -> (i32, i32) {
    %c0_i32 = arith.constant 0 : i32
    %c0_i32_0 = arith.constant 0 : i32
    %c0_i32_1 = arith.constant 0 : i32
    return %c0_i32, %c0_i32_0 : i32, i32
  }
  func.func @transform_6(%arg0: i32) -> (i32, i32) {
    %c0_i32 = arith.constant 0 : i32
    %c0_i32_0 = arith.constant 0 : i32
    %c0_i32_1 = arith.constant 0 : i32
    return %c0_i32, %c0_i32_0 : i32, i32
  }
  func.func @transform_7(%arg0: i32) -> (i32, i32) {
    %c0_i32 = arith.constant 0 : i32
    %c0_i32_0 = arith.constant 0 : i32
    %c0_i32_1 = arith.constant 0 : i32
    return %c0_i32, %c0_i32_0 : i32, i32
  }
  func.func @transform_8(%arg0: i32) -> (i32, i32) {
    %c0_i32 = arith.constant 0 : i32
    %c0_i32_0 = arith.constant 0 : i32
    return %arg0, %c0_i32 : i32, i32
  }
  func.func @transform_9(%arg0: i32) -> (i32, i32) {
    %c0_i32 = arith.constant 0 : i32
    %c0_i32_0 = arith.constant 0 : i32
    return %arg0, %c0_i32 : i32, i32
  }
}

module attributes {stable_mosaic.version = 14 : i64} {
  func.func @body(%arg0: i32, %arg1: memref<2000x32xf32, #tpu.memory_space<vmem>>, %arg2: memref<2000x32xf32, #tpu.memory_space<vmem>>, %arg3: memref<1x1x2000xi32, #tpu.memory_space<vmem>>, %arg4: memref<32x16xf32, #tpu.memory_space<vmem>>, %arg5: memref<1x16xf32, #tpu.memory_space<vmem>>, %arg6: memref<16x8xf32, #tpu.memory_space<vmem>>, %arg7: memref<1x8xf32, #tpu.memory_space<vmem>>, %arg8: memref<8x1xf32, #tpu.memory_space<vmem>>, %arg9: memref<1x1xf32, #tpu.memory_space<vmem>>, %arg10: memref<64x128xf32, #tpu.memory_space<vmem>>) attributes {dimension_semantics = [#tpu.dimension_semantics<arbitrary>], iteration_bounds = array<i64: 50>, scalar_prefetch = 0 : i64, scratch_operands = 0 : i64, tpu.core_type = #tpu.core_type<tc>, window_params = [{transform_indices = @transform_0, window_bounds = array<i64: 2000, 32>}, {transform_indices = @transform_1, window_bounds = array<i64: 2000, 32>}, {transform_indices = @transform_2, window_bounds = array<i64: 1, 1, 2000>}, {pipeline_mode = #tpu.pipeline_mode<synchronous>, transform_indices = @transform_3, window_bounds = array<i64: 32, 16>}, {pipeline_mode = #tpu.pipeline_mode<synchronous>, transform_indices = @transform_4, window_bounds = array<i64: 1, 16>}, {pipeline_mode = #tpu.pipeline_mode<synchronous>, transform_indices = @transform_5, window_bounds = array<i64: 16, 8>}, {pipeline_mode = #tpu.pipeline_mode<synchronous>, transform_indices = @transform_6, window_bounds = array<i64: 1, 8>}, {pipeline_mode = #tpu.pipeline_mode<synchronous>, transform_indices = @transform_7, window_bounds = array<i64: 8, 1>}, {pipeline_mode = #tpu.pipeline_mode<synchronous>, transform_indices = @transform_8, window_bounds = array<i64: 1, 1>}, {pipeline_mode = #tpu.pipeline_mode<synchronous>, transform_indices = @transform_9, window_bounds = array<i64: 64, 128>}]} {
    %get3A = arith.constant 0 : index
    %get3A_0 = arith.constant 0 : index
    %get3A_1 = vector.load %arg1[%get3A, %get3A_0] : memref<2000x32xf32, #tpu.memory_space<vmem>>, vector<2000x32xf32>
    %get3A_2 = arith.constant 0 : index
    %get3A_3 = arith.constant 0 : index
    %get3A_4 = vector.load %arg2[%get3A_2, %get3A_3] : memref<2000x32xf32, #tpu.memory_space<vmem>>, vector<2000x32xf32>
    %add3A = arith.addf %get3A_1, %get3A_4 : vector<2000x32xf32>
    %max3A = arith.constant 0.000000e+00 : f32
    %max3A_5 = vector.broadcast %max3A : f32 to vector<2000x32xf32>
    %max3A_6 = arith.maximumf %add3A, %max3A_5 : vector<2000x32xf32>
    %get3A_7 = arith.constant 0 : index
    %get3A_8 = arith.constant 0 : index
    %get3A_9 = vector.load %arg4[%get3A_7, %get3A_8] : memref<32x16xf32, #tpu.memory_space<vmem>>, vector<32x16xf32>
    %dot_general3A = arith.constant dense<0.000000e+00> : vector<2000x16xf32>
    %dot_general3A_10 = tpu.matmul %max3A_6, %get3A_9, %dot_general3A {dimension_numbers = #tpu.dot_dimension_numbers<[1], [0], [0], [1], [0, 0, 1, 1], [], []>, transpose_lhs_hint = false} : vector<2000x32xf32>, vector<32x16xf32>, vector<2000x16xf32> -> vector<2000x16xf32>
    %get3A_11 = arith.constant 0 : index
    %get3A_12 = arith.constant 0 : index
    %get3A_13 = vector.load %arg5[%get3A_11, %get3A_12] : memref<1x16xf32, #tpu.memory_space<vmem>>, vector<1x16xf32>
    %add3A_14 = vector.broadcast %get3A_13 : vector<1x16xf32> to vector<2000x16xf32>
    %add3A_15 = arith.addf %dot_general3A_10, %add3A_14 : vector<2000x16xf32>
    %max3A_16 = arith.constant 0.000000e+00 : f32
    %max3A_17 = vector.broadcast %max3A_16 : f32 to vector<2000x16xf32>
    %max3A_18 = arith.maximumf %add3A_15, %max3A_17 : vector<2000x16xf32>
    %get3A_19 = arith.constant 0 : index
    %get3A_20 = arith.constant 0 : index
    %get3A_21 = vector.load %arg6[%get3A_19, %get3A_20] : memref<16x8xf32, #tpu.memory_space<vmem>>, vector<16x8xf32>
    %dot_general3A_22 = arith.constant dense<0.000000e+00> : vector<2000x8xf32>
    %dot_general3A_23 = tpu.matmul %max3A_18, %get3A_21, %dot_general3A_22 {dimension_numbers = #tpu.dot_dimension_numbers<[1], [0], [0], [1], [0, 0, 1, 1], [], []>, transpose_lhs_hint = false} : vector<2000x16xf32>, vector<16x8xf32>, vector<2000x8xf32> -> vector<2000x8xf32>
    %get3A_24 = arith.constant 0 : index
    %get3A_25 = arith.constant 0 : index
    %get3A_26 = vector.load %arg7[%get3A_24, %get3A_25] : memref<1x8xf32, #tpu.memory_space<vmem>>, vector<1x8xf32>
    %add3A_27 = vector.broadcast %get3A_26 : vector<1x8xf32> to vector<2000x8xf32>
    %add3A_28 = arith.addf %dot_general3A_23, %add3A_27 : vector<2000x8xf32>
    %max3A_29 = arith.constant 0.000000e+00 : f32
    %max3A_30 = vector.broadcast %max3A_29 : f32 to vector<2000x8xf32>
    %max3A_31 = arith.maximumf %add3A_28, %max3A_30 : vector<2000x8xf32>
    %get3A_32 = arith.constant 0 : index
    %get3A_33 = arith.constant 0 : index
    %get3A_34 = vector.load %arg8[%get3A_32, %get3A_33] : memref<8x1xf32, #tpu.memory_space<vmem>>, vector<8x1xf32>
    %dot_general3A_35 = arith.constant dense<0.000000e+00> : vector<2000x1xf32>
    %dot_general3A_36 = tpu.matmul %max3A_31, %get3A_34, %dot_general3A_35 {dimension_numbers = #tpu.dot_dimension_numbers<[1], [0], [0], [1], [0, 0, 1, 1], [], []>, transpose_lhs_hint = false} : vector<2000x8xf32>, vector<8x1xf32>, vector<2000x1xf32> -> vector<2000x1xf32>
    %get3A_37 = arith.constant 0 : index
    %get3A_38 = arith.constant 0 : index
    %get3A_39 = vector.load %arg9[%get3A_37, %get3A_38] : memref<1x1xf32, #tpu.memory_space<vmem>>, vector<1x1xf32>
    %add3A_40 = vector.broadcast %get3A_39 : vector<1x1xf32> to vector<2000x1xf32>
    %add3A_41 = arith.addf %dot_general3A_36, %add3A_40 : vector<2000x1xf32>
    %get3A_42 = arith.constant 0 : index
    %get3A_43 = arith.constant 0 : index
    %get3A_44 = arith.constant 0 : index
    %get3A_45 = vector.load %arg3[%get3A_42, %get3A_43, %get3A_44] : memref<1x1x2000xi32, #tpu.memory_space<vmem>>, vector<1x1x2000xi32>
    %get3A_46 = vector.shape_cast %get3A_45 : vector<1x1x2000xi32> to vector<1x2000xi32>
    %iota3A = tpu.iota {dimensions = array<i32: 0>} : vector<64x2000xi32>
    %eq3A = vector.broadcast %get3A_46 : vector<1x2000xi32> to vector<64x2000xi32>
    %eq3A_47 = arith.cmpi eq, %iota3A, %eq3A : vector<64x2000xi32>
    %convert_element_type3A = arith.extui %eq3A_47 : vector<64x2000xi1> to vector<64x2000xi32>
    %convert_element_type3A_48 = arith.sitofp %convert_element_type3A : vector<64x2000xi32> to vector<64x2000xf32>
    %dot_general3A_49 = arith.constant dense<0.000000e+00> : vector<64x1xf32>
    %dot_general3A_50 = tpu.matmul %convert_element_type3A_48, %add3A_41, %dot_general3A_49 {dimension_numbers = #tpu.dot_dimension_numbers<[1], [0], [0], [1], [0, 0, 1, 1], [], []>, transpose_lhs_hint = false} : vector<64x2000xf32>, vector<2000x1xf32>, vector<64x1xf32> -> vector<64x1xf32>
    %reduce_sum3A = arith.constant dense<0.000000e+00> : vector<64xf32>
    %reduce_sum3A_51 = vector.multi_reduction <add>, %convert_element_type3A_48, %reduce_sum3A [1] : vector<64x2000xf32> to vector<64xf32>
    %broadcast_in_dim3A = vector.shape_cast %reduce_sum3A_51 : vector<64xf32> to vector<64x1xf32>
    %broadcast_in_dim3A_52 = arith.constant 0.000000e+00 : f32
    %broadcast_in_dim3A_53 = vector.broadcast %broadcast_in_dim3A_52 : f32 to vector<64x126xf32>
    %concatenate3A = tpu.concatenate %dot_general3A_50, %broadcast_in_dim3A, %broadcast_in_dim3A_53 in 1 : vector<64x1xf32>, vector<64x1xf32>, vector<64x126xf32> -> vector<64x128xf32>
    %eq3A_54 = arith.constant 0 : i32
    %eq3A_55 = arith.cmpi eq, %arg0, %eq3A_54 : i32
    %convert_element_type3A_56 = arith.extui %eq3A_55 : i1 to i32
    %cond3A = arith.constant 0 : i32
    %cond3A_57 = arith.cmpi ne, %convert_element_type3A_56, %cond3A : i32
    scf.if %cond3A_57 {
      %broadcast_in_dim3A_69 = arith.constant 0.000000e+00 : f32
      %broadcast_in_dim3A_70 = vector.broadcast %broadcast_in_dim3A_69 : f32 to vector<64x128xf32>
      %swap3A_71 = arith.constant 0 : index
      %swap3A_72 = arith.constant 0 : index
      %swap3A_73 = vector.load %arg10[%swap3A_71, %swap3A_72] : memref<64x128xf32, #tpu.memory_space<vmem>>, vector<64x128xf32>
      tpu.vector_store %arg10[%swap3A_71, %swap3A_72], %broadcast_in_dim3A_70 {strides = array<i32>} : memref<64x128xf32, #tpu.memory_space<vmem>>, vector<64x128xf32>,
    } else {
    }
    %get3A_58 = arith.constant 0 : index
    %get3A_59 = arith.constant 0 : index
    %get3A_60 = vector.load %arg10[%get3A_58, %get3A_59] : memref<64x128xf32, #tpu.memory_space<vmem>>, vector<64x128xf32>
    %add3A_61 = arith.addf %get3A_60, %concatenate3A : vector<64x128xf32>
    %swap3A = arith.constant 0 : index
    %swap3A_62 = arith.constant 0 : index
    %swap3A_63 = vector.load %arg10[%swap3A, %swap3A_62] : memref<64x128xf32, #tpu.memory_space<vmem>>, vector<64x128xf32>
    tpu.vector_store %arg10[%swap3A, %swap3A_62], %add3A_61 {strides = array<i32>} : memref<64x128xf32, #tpu.memory_space<vmem>>, vector<64x128xf32>,
    %eq3A_64 = arith.constant 49 : i32
    %eq3A_65 = arith.cmpi eq, %arg0, %eq3A_64 : i32
    %convert_element_type3A_66 = arith.extui %eq3A_65 : i1 to i32
    %cond3A_67 = arith.constant 0 : i32
    %cond3A_68 = arith.cmpi ne, %convert_element_type3A_66, %cond3A_67 : i32
    scf.if %cond3A_68 {
      %get3A_69 = arith.constant 0 : index
      %get3A_70 = arith.constant 0 : index
      %get3A_71 = vector.load %arg10[%get3A_69, %get3A_70] : memref<64x128xf32, #tpu.memory_space<vmem>>, vector<64x128xf32>
      %slice3A = vector.extract_strided_slice %get3A_71 {offsets = [0, 0], sizes = [64, 1], strides = [1, 1]} : vector<64x128xf32> to vector<64x1xf32>
      %slice3A_72 = vector.extract_strided_slice %get3A_71 {offsets = [0, 1], sizes = [64, 1], strides = [1, 1]} : vector<64x128xf32> to vector<64x1xf32>
      %max3A_73 = arith.constant 1.000000e+00 : f32
      %max3A_74 = vector.broadcast %max3A_73 : f32 to vector<64x1xf32>
      %max3A_75 = arith.maximumf %slice3A_72, %max3A_74 : vector<64x1xf32>
      %div3A = arith.divf %slice3A, %max3A_75 : vector<64x1xf32>
      %neg3A = arith.constant 0.000000e+00 : f32
      %neg3A_76 = vector.broadcast %neg3A : f32 to vector<64x1xf32>
      %neg3A_77 = arith.subf %neg3A_76, %div3A : vector<64x1xf32>
      %exp3A = math.exp %neg3A_77 : vector<64x1xf32>
      %add3A_78 = arith.constant 1.000000e+00 : f32
      %add3A_79 = vector.broadcast %add3A_78 : f32 to vector<64x1xf32>
      %add3A_80 = arith.addf %add3A_79, %exp3A : vector<64x1xf32>
      %div3A_81 = arith.constant 1.000000e+00 : f32
      %div3A_82 = vector.broadcast %div3A_81 : f32 to vector<64x1xf32>
      %div3A_83 = arith.divf %div3A_82, %add3A_80 : vector<64x1xf32>
      %slice3A_84 = vector.extract_strided_slice %get3A_71 {offsets = [0, 0], sizes = [64, 2], strides = [1, 1]} : vector<64x128xf32> to vector<64x2xf32>
      %slice3A_85 = vector.extract_strided_slice %get3A_71 {offsets = [0, 3], sizes = [64, 125], strides = [1, 1]} : vector<64x128xf32> to vector<64x125xf32>
      %concatenate3A_86 = tpu.concatenate %slice3A_84, %div3A_83, %slice3A_85 in 1 : vector<64x2xf32>, vector<64x1xf32>, vector<64x125xf32> -> vector<64x128xf32>
      %swap3A_87 = arith.constant 0 : index
      %swap3A_88 = arith.constant 0 : index
      %swap3A_89 = vector.load %arg10[%swap3A_87, %swap3A_88] : memref<64x128xf32, #tpu.memory_space<vmem>>, vector<64x128xf32>
      tpu.vector_store %arg10[%swap3A_87, %swap3A_88], %concatenate3A_86 {strides = array<i32>} : memref<64x128xf32, #tpu.memory_space<vmem>>, vector<64x128xf32>,
    } else {
    }
    return
  }
  func.func @transform_0(%arg0: i32) -> (i32, i32) {
    %c0_i32 = arith.constant 0 : i32
    %c0_i32_0 = arith.constant 0 : i32
    return %arg0, %c0_i32 : i32, i32
  }
  func.func @transform_1(%arg0: i32) -> (i32, i32) {
    %c0_i32 = arith.constant 0 : i32
    %c0_i32_0 = arith.constant 0 : i32
    return %arg0, %c0_i32 : i32, i32
  }
  func.func @transform_2(%arg0: i32) -> (i32, i32, i32) {
    %c0_i32 = arith.constant 0 : i32
    %c0_i32_0 = arith.constant 0 : i32
    %c0_i32_1 = arith.constant 0 : i32
    return %arg0, %c0_i32, %c0_i32_0 : i32, i32, i32
  }
  func.func @transform_3(%arg0: i32) -> (i32, i32) {
    %c0_i32 = arith.constant 0 : i32
    %c0_i32_0 = arith.constant 0 : i32
    %c0_i32_1 = arith.constant 0 : i32
    return %c0_i32, %c0_i32_0 : i32, i32
  }
  func.func @transform_4(%arg0: i32) -> (i32, i32) {
    %c0_i32 = arith.constant 0 : i32
    %c0_i32_0 = arith.constant 0 : i32
    %c0_i32_1 = arith.constant 0 : i32
    return %c0_i32, %c0_i32_0 : i32, i32
  }
  func.func @transform_5(%arg0: i32) -> (i32, i32) {
    %c0_i32 = arith.constant 0 : i32
    %c0_i32_0 = arith.constant 0 : i32
    %c0_i32_1 = arith.constant 0 : i32
    return %c0_i32, %c0_i32_0 : i32, i32
  }
  func.func @transform_6(%arg0: i32) -> (i32, i32) {
    %c0_i32 = arith.constant 0 : i32
    %c0_i32_0 = arith.constant 0 : i32
    %c0_i32_1 = arith.constant 0 : i32
    return %c0_i32, %c0_i32_0 : i32, i32
  }
  func.func @transform_7(%arg0: i32) -> (i32, i32) {
    %c0_i32 = arith.constant 0 : i32
    %c0_i32_0 = arith.constant 0 : i32
    %c0_i32_1 = arith.constant 0 : i32
    return %c0_i32, %c0_i32_0 : i32, i32
  }
  func.func @transform_8(%arg0: i32) -> (i32, i32) {
    %c0_i32 = arith.constant 0 : i32
    %c0_i32_0 = arith.constant 0 : i32
    %c0_i32_1 = arith.constant 0 : i32
    return %c0_i32, %c0_i32_0 : i32, i32
  }
  func.func @transform_9(%arg0: i32) -> (i32, i32) {
    %c0_i32 = arith.constant 0 : i32
    %c0_i32_0 = arith.constant 0 : i32
    %c0_i32_1 = arith.constant 0 : i32
    return %c0_i32, %c0_i32_0 : i32, i32
  }
}

</mosaic_0001>

<sc_bundles>
// kernel: kernel.6.cloned.1.call-start
scs
__scs_entry_jumppad:
0x0: {  	(pc) =	sbr.rel $0x88, $3  }
0x1: {  	(tag) =	ssettag $0x0;
	lr =	simm.s32 $0x1  }
0x2: {  	[smem:$0x3F92] =	sst lr;
	_ =	strace $0xD0000000  }
0x3: {  	_ = 	snop  }
0x4: {  	_ = 	snop  }
0x5: {  	_ = 	snop  }
0x6: {  	_ = 	snop  }
0x7: {  	_ = 	snop  }
__scs_overlays_trampoline_lowered:
0x8: {  	[smem:$0x3FA1] =	sst s0  }
0x9: {  	[smem:$0x3FA2] =	sst s1  }
0xa: {  	[smem:$0x3FA3] =	sst s2  }
0xb: {  	[smem:$0x3FA4] =	sst s3  }
0xc: {  	[smem:$0x3FA5] =	sst s4  }
0xd: {  	[smem:$0x3FA6] =	sst s5  }
0xe: {  	[smem:$0x3FA7] =	sst s6  }
0xf: {  	[smem:$0x3FA8] =	sst s7  }
0x10: {  	[smem:$0x3FA9] =	sst s8  }
0x11: {  	[smem:$0x3FAA] =	sst s9;
	s0 =	simm.s32 @!p0 $0x0  }
0x12: {  	s1 =	sld [smem:$0x3F90];
	s0 =	simm.s32 @p0 $0x1  }
0x13: {  	[smem:$0x3FAB] =	sst s0;
	s0 =	simm.s32 @!p1 $0x0  }
0x14: {  	s2 =	sld [smem:$0x3F8F];
	s0 =	simm.s32 @p1 $0x1  }
0x15: {  	[smem:$0x3FAC] =	sst s0;
	s0 =	simm.s32 @!p2 $0x0  }
0x16: {  	s3 =	sld [smem:$0x3FDB];
	s0 =	simm.s32 @p2 $0x1  }
0x17: {  	s4 =	simm.s32 $0x1BF5;
	[smem:$0x3FAE] =	sst s0  }
0x18: {  	s0 =	sld [smem:$0x3F91];
	_ =	swait.ge [sflag:s4], $0x0  }
0x19: {  	s7 =	sld [smem:$0x3F92]  }
0x1a: {  	s8 =	sadd.s32 $0xFFFFE003, lr  }
0x1b: {  	s9 =	sadd.s32 $0xFFFFFEF7, lr;
	s5 =	simm.s32 $0xFFFFFFFF;
	p2 =	slt.u32 s8, $0xFFFFF086  }
0x1c: {  	p1 =	slt.u32 s9, $0xF7A;
	s5 =	simm.s32 @!p2 $0x0  }
0x1d: {  	s5 =	simm.s32 @p1 $0x1;
	p0 =	seq.s32 s7, s2  }
0x1e: {  	s7 =	smul.u32 @!p0 $0xF7A, s2;
	p2 =	seq.s32 @!p0 s5, $0x0  }
0x1f: {  	s9 =	smul.u32 $0xF7A, s1;
	s8 =	simm.s32 @!p0 $0x1BF5;
	p2 =	por !p2, p0  }
0x20: {  	[sflag:s8] =	ssyncset.s32 @!p0 $0xFFFFF086;
	s6 =	sadd.s32 @!p0 s3, s7;
	s7 =	simm.s32 @!p0 $0x108  }
0x21: {  	s3 =	sadd.s32 s3, s9;
	s6 =	sadd.s32 @!p0 $0x88, s6;
	s7 =	simm.s32 @p2 $0x1082  }
0x22: {  	[simem:s7], [sflag:s8] =	dma.local @!p0 [hbm:s6], $0xF7A  }
0x23: {  	s9 =	sor.u32 $0xD0000000, s2;
	s6 =	simm.s32 $0x108;
	_ =	swait.ge @!p0 [sflag:s8], $0x0  }
0x24: {  	s3 =	sadd.s32 $0x88, s3;
	s6 =	simm.s32 @!p1 $0x1082;
	[sflag:s4] =	ssyncset.s32 $0xFFFFF086  }
0x25: {  	[simem:s6], [sflag:s4] =	dma.local [hbm:s3], $0xF7A  }
0x26: {  	[smem:$0x3F92] =	sst s1;
	(tag) =	ssettag s2;
	_ =	strace s9  }
0x27: {  	s1 =	sld [smem:$0x3FA2]  }
0x28: {  	s2 =	sld [smem:$0x3FA3]  }
0x29: {  	s4 =	sld [smem:$0x3FA5]  }
0x2a: {  	p0 =	seq.s32 s5, $0x0;
	s5 =	sld [smem:$0x3FA6]  }
0x2b: {  	s6 =	sld [smem:$0x3FA7]  }
0x2c: {  	s7 =	sld [smem:$0x3FA8]  }
0x2d: {  	s3 =	simm.s32 $0x108;
	s8 =	sld [smem:$0x3FA9]  }
0x2e: {  	s3 =	simm.s32 @!p0 $0x1082;
	s9 =	sld [smem:$0x3FAA]  }
0x2f: {  	lr =	sadd.s32 s0, s3;
	s0 =	sld [smem:$0x3FA1]  }
0x30: {  	s3 =	sld [smem:$0x3FA4]  }
0x31: {  	[smem:$0x3FAD] =	sst s10  }
0x32: {  	s10 =	sld [smem:$0x3FAB];
	_ =	sdelay $0x3  }
0x33: {  	p0 =	seq.s32 s10, $0x1;
	s10 =	sld [smem:$0x3FAD];
	_ =	sdelay $0x3  }
0x34: {  	[smem:$0x3FAD] =	sst s10  }
0x35: {  	s10 =	sld [smem:$0x3FAC];
	_ =	sdelay $0x3  }
0x36: {  	p1 =	seq.s32 s10, $0x1;
	s10 =	sld [smem:$0x3FAD];
	_ =	sdelay $0x3  }
0x37: {  	[smem:$0x3FAD] =	sst s10  }
0x38: {  	s10 =	sld [smem:$0x3FAE]  }
0x39: {  	_ = 	snop;
	(pc) =	sbr.ind lr, $3  }
0x3a: {  	_ = 	snop  }
0x3b: {  	_ = 	snop  }
0x3c: {  	p2 =	seq.s32 s10, $0x1;
	s10 =	sld [smem:$0x3FAD]  }
0x3d: {  	_ =	shalt  }
0x3e: {  	_ =	shalt  }
0x3f: {  	_ =	shalt  }
0x40: {  	_ =	shalt  }
0x41: {  	_ =	shalt  }
0x42: {  	_ =	shalt  }
0x43: {  	_ =	shalt  }
0x44: {  	_ =	shalt  }
0x45: {  	_ =	shalt  }
0x46: {  	_ =	shalt  }
0x47: {  	_ =	shalt  }
0x48: {  	_ =	shalt  }
0x49: {  	_ =	shalt  }
0x4a: {  	_ =	shalt  }
0x4b: {  	_ =	shalt  }
0x4c: {  	_ =	shalt  }
0x4d: {  	_ =	shalt  }
0x4e: {  	_ =	shalt  }
0x4f: {  	_ =	shalt  }
0x50: {  	_ =	shalt  }
0x51: {  	_ =	shalt  }
0x52: {  	_ =	shalt  }
0x53: {  	_ =	shalt  }
0x54: {  	_ =	shalt  }
0x55: {  	_ =	shalt  }
0x56: {  	_ =	shalt  }
0x57: {  	_ =	shalt  }
0x58: {  	_ =	shalt  }
0x59: {  	_ =	shalt  }
0x5a: {  	_ =	shalt  }
0x5b: {  	_ =	shalt  }
0x5c: {  	_ =	shalt  }
0x5d: {  	_ =	shalt  }
0x5e: {  	_ =	shalt  }
0x5f: {  	_ =	shalt  }
0x60: {  	_ =	shalt  }
0x61: {  	_ =	shalt  }
0x62: {  	_ =	shalt  }
0x63: {  	_ =	shalt  }
0x64: {  	_ =	shalt  }
0x65: {  	_ =	shalt  }
0x66: {  	_ =	shalt  }
0x67: {  	_ =	shalt  }
0x68: {  	_ =	shalt  }
0x69: {  	_ =	shalt  }
0x6a: {  	_ =	shalt  }
0x6b: {  	_ =	shalt  }
0x6c: {  	_ =	shalt  }
0x6d: {  	_ =	shalt  }
0x6e: {  	_ =	shalt  }
0x6f: {  	_ =	shalt  }
0x70: {  	_ =	shalt  }
0x71: {  	_ =	shalt  }
0x72: {  	_ =	shalt  }
0x73: {  	_ =	shalt  }
0x74: {  	_ =	shalt  }
0x75: {  	_ =	shalt  }
0x76: {  	_ =	shalt  }
0x77: {  	_ =	shalt  }
0x78: {  	_ =	shalt  }
0x79: {  	_ =	shalt  }
0x7a: {  	_ =	shalt  }
0x7b: {  	_ =	shalt  }
0x7c: {  	_ =	shalt  }
0x7d: {  	_ =	shalt  }
0x7e: {  	_ =	shalt  }
0x7f: {  	_ =	shalt  }
0x80: {  	_ =	shalt  }
0x81: {  	_ =	shalt  }
0x82: {  	_ =	shalt  }
0x83: {  	_ =	shalt  }
0x84: {  	_ =	shalt  }
0x85: {  	_ =	shalt  }
0x86: {  	_ =	shalt  }
0x87: {  	_ =	shalt  }
.Lfunc_end0:
.L_simem_size_0:
called_computation_lowered:
.L_overlay_start_0:
0x88: {  	s2 =	sld [smem:$0x3FD9]  }
0x89: {  	s3 =	sld [smem:$0x3FFE];
	_ =	sdelay $0x1  }
0x8a: {  	s1 =	srdreg.scid  }
0x8b: {  	s0 =	sand.u32 $0x1, s1  }
0x8c: {  	s16 =	sshll.u32 s0, $0xA;
	s2 =	sadd.s32 s3, s2  }
0x8d: {  	s2 =	sadd.s32 s2, s16  }
0x8e: {  	[smem:$0x3FB9] =	sst s2  }
0x8f: {  	_ = 	snop  }
0x90: {  	(tm) =	ssettm $0x1  }
0x91: {  	s17 =	sld [smem:$0x3FFB];
	_ =	sdelay $0x3  }
0x92: {  	_ =	strace s17  }
0x93: {  	s2 =	sld [smem:$0x3FFC];
	_ =	sdelay $0x3  }
0x94: {  	_ =	strace s2  }
0x95: {  	s2 =	sld [smem:$0x3FFD];
	_ =	sdelay $0x3  }
0x96: {  	_ =	strace s2  }
0x97: {  	_ =	strace $0x8FFFFFFF  }
0x98: {  	s18 =	sld [smem:$0x3FDB];
	_ =	sdelay $0x1  }
0x99: {  	s19 =	simm.s32 $_scs_section_size  }
0x9a: {  	s4 =	simm.s32 $_size__tile_overlayer_lowered;
	s5 =	simm.s32 $_tile_overlayer_lowered  }
0x9b: {  	s22 =	simm.s32 $0x1BFF;
	s21 =	sshll.u32 s5, $0x1;
	s2 =	sadd.s32 s19, s18  }
0x9c: {  	s6 =	simm.s32 $0x0;
	s20 =	sshll.u32 s4, $0x1;
	s4 =	sadd.s32 s21, s2  }
0x9d: {  	[timem:s6], [sflag:s22] =	dma.local [hbm:s4], s20  }
0x9e: {  	_ =	swait.ge [sflag:s22], s20  }
0x9f: {  	s3 =	ssub.s32 $0x0, s20;
	[sflag:s22] =	ssyncset.done $0x0  }
0xa0: {  	[sflag:s22] =	ssyncadd.s32 s3;
	_ =	sdelay $0x1  }
0xa1: {  	s23 =	simm.s32 $0x1B8B  }
0xa2: {  	_ =	swait.ge [sflag:s23], $0x1  }
0xa3: {  	[sflag:s23] =	ssyncset.done $0x0  }
0xa4: {  	s25 =	simm.s32 $0x1B8E;
	s24 =	sld [smem:$0x3FFE];
	[sflag:s23] =	ssyncadd.s32 $0xFFFFFFFF  }
0xa5: {  	s26 =	simm.s32 $execute0_lowered;
	[smem:$0x3FD2] =	sst s25  }
0xa6: {  	s4 =	sshll.u32 s26, $0x1;
	_ =	strace $0x80000046;
	[dreg:$0x1] =	wrdreg $0xFFFFFFFF  }
0xa7: {  	s28 =	simm.s32 $_size_execute0_lowered;
	s2 =	sadd.s32 s2, s4;
	[dreg:$0x0] =	wrdreg $0x0  }
0xa8: {  	s4 =	sshll.u32 s28, $0x1;
	[dreg:$0x2] =	wrdreg s2  }
0xa9: {  	[dreg:$0x3] =	wrdreg s4  }
0xaa: {  	[dreg:$0x4] =	wrdreg $0xC0  }
0xab: {  	_ =	task [dreg:s6], $0x5FFFF  }
0xac: {  	[dreg:$0x1] =	wrdreg $0xFFFFFFFF  }
0xad: {  	[dreg:$0x0] =	wrdreg $0x60  }
0xae: {  	[dreg:$0x2] =	wrdreg s24  }
0xaf: {  	[dreg:$0x3] =	wrdreg $0xB400  }
0xb0: {  	[dreg:$0x4] =	wrdreg $0x9  }
0xb1: {  	_ =	task.clear_ibuf [dreg:s6], $0x5FFFF;
	_ =	strace $0x90000046  }
0xb2: {  	s29 =	simm.s32 $0x9;
	_ =	strace $0x80000048  }
0xb3: {  	_ =	swait.ge [sflag:s29], $0x1  }
0xb4: {  	[sflag:s29] =	ssyncadd.s32 $0xFFFFFFFF  }
0xb5: {  	_ =	strace $0x90000048  }
0xb6: {  	_ =	sfence  }
0xb7: {  	s30 =	sld [smem:$0x0];
	_ =	sdelay $0x2  }
0xb8: {  	s31 =	sshll.u32 s1, $0xD;
	s1 =	sshrl.u32 s1, $0x2  }
0xb9: {  	s3 =	sand.u32 $0x4000, s31;
	s1 =	sadd.s32 s1, s30  }
0xba: {  	s0 =	sor.u32 s3, s0;
	s1 =	sshll.u32 s1, $0x11  }
0xbb: {  	s0 =	sor.u32 s1, s0  }
0xbc: {  	s0 =	sadd.s32 $0x8F2B, s0  }
0xbd: {  	[sflag:s0] =	ssyncadd.remote.s32 $0x1  }
0xbe: {  	_ =	sfence.sel $0xFFFF  }
0xbf: {  	[dreg:$0x0] =	wrdreg $0xFFFFFFFF;
	(pc) =	sbr.abs _section_cstart, $3  }
0xc0: {  	[dreg:$0x1] =	wrdreg $0xFFFFFFFF  }
0xc1: {  	_ =	task.clear_ibuf [dreg:s6], $0x2FFFF;
	_ =	strace $0x9FFFFFFF  }
0xc2: {  	(tm) =	ssettm $0x7FFFFFFF  }
0xc3: {  	_ =	shalt  }
tec
execute0_lowered:
.L_overlay_start_1:
0x0: {  	(tag) =	ssettag $0x1  }
0x1: {  	s6 =	rddreg [dreg:$0x0];
	s3 =	srdreg.scid  }
0x2: {  	s1 =	rddreg [dreg:$0x1];
	s7 =	sand.u32 $0x1, s3;
	s3 =	stileid.u32  }
0x3: {  	s0 =	rddreg [dreg:$0x2];
	s10 =	smul.u32 $0x32E00, s3  }
0x4: {  	s2 =	simm.s32 $0x0;
	s18 =	simm.s32 $0x1;
	s23 =	smul.u32 $0xC350, s7  }
0x5: {  	s19 =	simm.s32 $0x900;
	s4 =	sadd.s32 $0x1E9C00, s6;
	s22 =	smul.u32 $0x186A0, s3  }
0x6: {  	[smem:$0x7FF] =	sst s2;
	s5 =	sadd.s32 $0x370600, s6;
	s25 =	smul.u32 $0xC30, s3  }
0x7: {  	s13 =	sadd.s32 $0x32400, s6;
	s11 =	sadd.s32 $0x1EB600, s6;
	s26 =	smul.u32 $0x30C00, s3  }
0x8: {  	s12 =	sadd.s32 $0x1600, s6;
	_ =	strace $0x80000047;
	s17 =	smul.u32 $0xC3500, s7  }
0x9: {  	s8 =	ssub.s32 $0x2, s7;
	s21 =	sshll.u32 s3, $0x6;
	s31 =	smul.u32 $0x30D4, s3  }
0xa: {  	p0 =	seq.s32 s3, $0xF;
	s9 =	sshrl.u32 s8, $0x1;
	s6 =	sor.u32 $0x1C02, s21  }
0xb: {  	s21 =	simm.s32 $0x20;
	s14 =	ssub.s32 s8, s9;
	s20 =	sshrl.u32 s10, $0x2  }
0xc: {  	s24 =	sadd.s32 $0xC350, s23;
	s9 =	sshrl.u32 s22, $0x3;
	s16 =	sadd.s32 s25, s23  }
0xd: {  	s10 =	sshrl.u32 s26, $0x2;
	s29 =	sshrl.u32 s17, $0x3;
	s26 =	sadd.s32 $0xB6D00, s1  }
0xe: {  	s17 =	simm.s32 $0x100;
	s22 =	simm.s32 $0x940;
	s15 =	sadd.s32 s20, s1  }
0xf: {  	s9 =	sadd.s32 $0x30D0, s9;
	s28 =	sshll.u32 s16, $0x1;
	s25 =	sadd.s32 s10, s1  }
0x10: {  	s30 =	sadd.s32 s11, s29;
	s16 =	simm.s32 $0x80;
	s20 =	simm.s32 $0x920  }
0x11: {  	v0 =	vmov s23;
	s23 =	sshrl.u32 @p0 s26, $0x3;
	s7 =	sadd.s32 s13, s9;
	s8 =	sadd.s32 s12, s9  }
0x12: {  	s9 =	sadd.s32 s11, s28;
	s10 =	sadd.s32 $0x16DA0, s30;
	s11 =	smax.u32 s14, $0x1  }
0x13: {  	s12 =	sadd.s32 s31, s12;
	s13 =	sadd.s32 s31, s13;
	s14 =	sshrl.u32 s15, $0x3  }
0x14: {  	v1 =	vmov s24;
	s15 =	simm.s32 $0x2;
	s24 =	sshrl.u32 @!p0 s25, $0x3;
	s25 =	simm.s32 $0x0  }
.LBB2_1:
0x15: {  	[spmem:s14], [sflag:s6] =	dma.local [hbm:s4], $0x1970  }
0x16: {  	_ =	swait.ge [sflag:s15], $0x1970  }
0x17: {  	[sflag:s15] =	ssyncset.done $0x0  }
0x18: {  	[sflag:s15] =	ssyncadd.s32 $0xFFFFE690  }
0x19: {  	s26 =	sadd.s32 $0x0, s13;
	[bflag:$0x0] =	sbarrier.arrive $0xFFFF  }
0x1a: {  	[tilespmem:s2], [sflag:$0x2] =	stream.linear.gather [hbm4b:s26+s2], $0x80, $0x38;
	[tilespmem:$0xD6C0] =	vst v63  }
0x1b: {  	_ =	swait.ge [sflag:s15], $0x80  }
0x1c: {  	[sflag:s15] =	ssyncset.done $0x0  }
0x1d: {  	s31 =	sadd.s32 $0x0, s12;
	[sflag:s15] =	ssyncadd.s32 $0xFFFFFF80  }
0x1e: {  	[tilespmem:s16], [sflag:$0x2] =	stream.linear.gather [hbm4b:s31+s2], $0x80, $0x38;
	[tilespmem:$0xD6C0] =	vst v63  }
0x1f: {  	_ =	swait.ge [sflag:s15], $0x80  }
0x20: {  	[sflag:s15] =	ssyncset.done $0x0  }
0x21: {  	[sflag:s15] =	ssyncadd.s32 $0xFFFFFF80  }
0x22: {  	v2 =	vld [tilespmem:$0xE0]  }
0x23: {  	v3 =	vld [tilespmem:$0x80]  }
0x24: {  	v5 =	vld [tilespmem:$0xA0]  }
0x25: {  	v13 =	vld [tilespmem:$0xB0]  }
0x26: {  	v8 =	vld [tilespmem:$0xC0]  }
0x27: {  	v11 =	vld [tilespmem:$0xF0];
	vm0 =	vge.s32 v2, v0  }
0x28: {  	vm1 =	vlt.s32 v2, v1;
	v4 =	vand.u32 $0x7FF, v2;
	v6 =	vsub.s32 v2, v0  }
0x29: {  	v2 =	vsub.s32 v3, v0;
	vm0 =	vmand vm0, vm1;
	v4 =	vadd.s32 $0xC350, v4  }
0x2a: {  	v7 =	vsub.s32 v5, v0;
	v14 =	vsel vm0, v6, v4;
	v4 =	vand.u32 $0x7FF, v3  }
0x2b: {  	v10 =	vsub.s32 v13, v0;
	vm2 =	vge.s32 v3, v0;
	v6 =	vadd.s32 $0xC350, v4;
	v4 =	vld [tilespmem:$0xD0]  }
0x2c: {  	v12 =	vsub.s32 v8, v0;
	vm3 =	vge.s32 v13, v0;
	v9 =	vsub.s32 v11, v0  }
0x2d: {  	vm4 =	vlt.s32 v13, v1;
	v15 =	vand.u32 $0x7FF, v11;
	vm0 =	vlt.s32 v3, v1  }
0x2e: {  	vm1 =	vlt.s32 v8, v1;
	vm3 =	vmand vm3, vm4;
	vm0 =	vmand vm2, vm0  }
0x2f: {  	s26 =	simm.s32 $0x10;
	v3 =	vld [tilespmem:$0x90];
	vm2 =	vge.s32 v5, v0;
	[tilespmem:$0xE0] =	vst v14;
	v14 =	vand.u32 $0x7FF, v13;
	v13 =	vadd.s32 $0xC350, v15  }
.LBB2_2:
0x30: {  	p1 =	sne.s32 s26, $0x30C0;
	vm4 =	vlt.s32 v5, v1;
	vm5 =	vge.s32 v4, v0;
	vm6 =	vlt.s32 v11, v1;
	s28 =	smov.u32 s26;
	s26 =	sadd.s32 $0x10, s26  }
0x31: {  	vm7 =	vge.s32 v8, v0;
	v8 =	vand.u32 $0x7FF, v8;
	vm8 =	vge.s32 v11, v0  }
0x32: {  	v5 =	vand.u32 $0x7FF, v5;
	v11 =	vand.u32 $0x7FF, v4;
	v8 =	vadd.s32 $0xC350, v8  }
0x33: {  	v14 =	vadd.s32 $0xC350, v14;
	v5 =	vadd.s32 $0xC350, v5;
	vm1 =	vmand vm7, vm1  }
0x34: {  	vm2 =	vmand vm2, vm4;
	v10 =	vsel vm3, v10, v14;
	v11 =	vadd.s32 $0xC350, v11  }
0x35: {  	v5 =	vsel vm2, v7, v5;
	v7 =	vsel vm1, v12, v8;
	vm1 =	vlt.s32 v4, v1;
	[tilespmem:$0xB0] =	vst v10  }
0x36: {  	v4 =	vsub.s32 v4, v0;
	vm2 =	vmand vm8, vm6;
	vm1 =	vmand vm5, vm1;
	[tilespmem:$0xC0] =	vst v7  }
0x37: {  	v2 =	vsel vm0, v2, v6;
	v4 =	vsel vm1, v4, v11;
	[tilespmem:$0xA0] =	vst v5;
	v5 =	vsel vm2, v9, v13  }
0x38: {  	vm0 =	vge.s32 v3, v0;
	v6 =	vand.u32 $0x7FF, v3;
	vm1 =	vlt.s32 v3, v1;
	[tilespmem:$0xD0] =	vst v4  }
0x39: {  	v3 =	vsub.s32 v3, v0;
	vm0 =	vmand vm0, vm1;
	v4 =	vadd.s32 $0xC350, v6;
	[tilespmem:$0xF0] =	vst v5  }
0x3a: {  	[tilespmem:$0x80] =	vst v2;
	v2 =	vsel vm0, v3, v4  }
0x3b: {  	[tilespmem:$0x90] =	vst v2  }
0x3c: {  	[tilespmem:s17], [sflag:$0x1] =	stream.indirect.gather [hbm4b:s5+s16], $0x10, s2, s16, $0xb8;
	[tilespmem:$0xD6C0] =	vst v63  }
0x3d: {  	_ =	swait.ge [sflag:s18], $0x800  }
0x3e: {  	[sflag:s18] =	ssyncset.done $0x0  }
0x3f: {  	[sflag:s18] =	ssyncadd.s32 $0xFFFFF800  }
0x40: {  	[spmem:s1] =	stream.indirect.scatter.add.f32 [tilespmem:s17], [sflag:$0x2], $0x10, s16, s16, $0xb8;
	[tilespmem:$0xD6C0] =	vst v63  }
0x41: {  	s29 =	sadd.s32 s28, s13;
	_ =	swait.ge [sflag:s15], $0x800  }
0x42: {  	[sflag:s15] =	ssyncset.done $0x0  }
0x43: {  	[sflag:s15] =	ssyncadd.s32 $0xFFFFF800  }
0x44: {  	[tilespmem:s2], [sflag:$0x2] =	stream.linear.gather [hbm4b:s29+s2], $0x80, $0x38;
	[tilespmem:$0xD6C0] =	vst v63  }
0x45: {  	_ =	swait.ge [sflag:s15], $0x80  }
0x46: {  	[sflag:s15] =	ssyncset.done $0x0  }
0x47: {  	s28 =	sadd.s32 s28, s12;
	[sflag:s15] =	ssyncadd.s32 $0xFFFFFF80  }
0x48: {  	[tilespmem:s16], [sflag:$0x2] =	stream.linear.gather [hbm4b:s28+s2], $0x80, $0x38;
	[tilespmem:$0xD6C0] =	vst v63  }
0x49: {  	_ =	swait.ge [sflag:s15], $0x80  }
0x4a: {  	[sflag:s15] =	ssyncset.done $0x0  }
0x4b: {  	[sflag:s15] =	ssyncadd.s32 $0xFFFFFF80  }
0x4c: {  	v2 =	vld [tilespmem:$0xE0]  }
0x4d: {  	v5 =	vld [tilespmem:$0xA0]  }
0x4e: {  	v9 =	vld [tilespmem:$0x80]  }
0x4f: {  	v13 =	vld [tilespmem:$0xB0]  }
0x50: {  	v8 =	vld [tilespmem:$0xC0]  }
0x51: {  	v4 =	vld [tilespmem:$0xD0];
	vm0 =	vge.s32 v2, v0;
	vm1 =	vlt.s32 v2, v1;
	v3 =	vand.u32 $0x7FF, v2  }
0x52: {  	v6 =	vsub.s32 v2, v0;
	vm0 =	vmand vm0, vm1;
	v10 =	vadd.s32 $0xC350, v3;
	v11 =	vld [tilespmem:$0xF0]  }
0x53: {  	v7 =	vsub.s32 v5, v0;
	v2 =	vsub.s32 v9, v0;
	v3 =	vld [tilespmem:$0x90];
	v6 =	vsel vm0, v6, v10  }
0x54: {  	vm0 =	vlt.s32 v9, v1;
	v12 =	vand.u32 $0x7FF, v9;
	v10 =	vsub.s32 v13, v0;
	[tilespmem:$0xE0] =	vst v6  }
.Ltmp0:
0x55: {  	v6 =	vadd.s32 $0xC350, v12;
	vm1 =	vlt.s32 v8, v1;
	(pc) =	sbr.rel @p1 .LBB2_2-.Ltmp0, $4  }
0x56: {  	vm2 =	vge.s32 v9, v0;
	v12 =	vsub.s32 v8, v0  }
0x57: {  	vm0 =	vmand vm2, vm0;
	vm3 =	vge.s32 v13, v0;
	v9 =	vsub.s32 v11, v0  }
0x58: {  	vm2 =	vge.s32 v5, v0;
	vm4 =	vlt.s32 v13, v1;
	v15 =	vand.u32 $0x7FF, v11  }
0x59: {  	v14 =	vand.u32 $0x7FF, v13;
	vm3 =	vmand vm3, vm4;
	v13 =	vadd.s32 $0xC350, v15  }
0x5a: {  	vm4 =	vlt.s32 v5, v1;
	vm5 =	vge.s32 v4, v0;
	vm6 =	vlt.s32 v11, v1  }
0x5b: {  	vm7 =	vge.s32 v8, v0;
	v54 =	vand.u32 $0x7FF, v8;
	vm8 =	vge.s32 v11, v0  }
0x5c: {  	v55 =	vand.u32 $0x7FF, v5;
	v56 =	vand.u32 $0x7FF, v4;
	v14 =	vadd.s32 $0xC350, v14  }
0x5d: {  	v58 =	vsub.s32 v4, v0;
	v2 =	vsel vm0, v2, v6;
	vm10 =	vge.s32 v3, v0  }
0x5e: {  	vm11 =	vlt.s32 v3, v1;
	v60 =	vand.u32 $0x7FF, v3;
	v3 =	vsub.s32 v3, v0  }
0x5f: {  	v8 =	vadd.s32 $0xC350, v54;
	vm1 =	vmand vm7, vm1;
	v10 =	vsel vm3, v10, v14;
	[tilespmem:$0x80] =	vst v2  }
0x60: {  	v5 =	vadd.s32 $0xC350, v55;
	vm2 =	vmand vm2, vm4;
	[tilespmem:$0xB0] =	vst v10;
	v57 =	vsel vm1, v12, v8  }
0x61: {  	vm7 =	vlt.s32 v4, v1;
	vm9 =	vmand vm8, vm6;
	v5 =	vsel vm2, v7, v5;
	[tilespmem:$0xC0] =	vst v57  }
0x62: {  	vm0 =	vmand vm10, vm11;
	v61 =	vadd.s32 $0xC350, v60;
	v59 =	vsel vm9, v9, v13;
	[tilespmem:$0xA0] =	vst v5  }
0x63: {  	v11 =	vadd.s32 $0xC350, v56;
	vm1 =	vmand vm5, vm7;
	v2 =	vsel vm0, v3, v61;
	[tilespmem:$0xF0] =	vst v59  }
0x64: {  	v4 =	vsel vm1, v58, v11;
	[tilespmem:$0x90] =	vst v2  }
0x65: {  	[tilespmem:$0xD0] =	vst v4  }
0x66: {  	[tilespmem:s17], [sflag:$0x1] =	stream.indirect.gather [hbm4b:s5+s16], $0x10, s2, s16, $0xb8;
	[tilespmem:$0xD6C0] =	vst v63  }
0x67: {  	_ =	swait.ge [sflag:s18], $0x800  }
0x68: {  	[sflag:s18] =	ssyncset.done $0x0  }
0x69: {  	[sflag:s18] =	ssyncadd.s32 $0xFFFFF800  }
0x6a: {  	[spmem:s1] =	stream.indirect.scatter.add.f32 [tilespmem:s17], [sflag:$0x2], $0x10, s16, s16, $0xb8;
	[tilespmem:$0xD6C0] =	vst v63  }
0x6b: {  	_ =	swait.ge [sflag:s15], $0x800  }
0x6c: {  	[sflag:s15] =	ssyncset.done $0x0  }
0x6d: {  	[sflag:s15] =	ssyncadd.s32 $0xFFFFF800  }
0x6e: {  	[tilespmem:s19], [sflag:$0x2] =	stream.linear.gather [hbm4b:s7+s2], $0x20, $0x38;
	[tilespmem:$0xD6C0] =	vst v63  }
0x6f: {  	_ =	swait.ge [sflag:s15], $0x20  }
0x70: {  	[sflag:s15] =	ssyncset.done $0x0  }
0x71: {  	[sflag:s15] =	ssyncadd.s32 $0xFFFFFFE0  }
0x72: {  	[tilespmem:s20], [sflag:$0x2] =	stream.linear.gather [hbm4b:s8+s2], $0x20, $0x38;
	[tilespmem:$0xD6C0] =	vst v63  }
0x73: {  	_ =	swait.ge [sflag:s15], $0x20  }
0x74: {  	[sflag:s15] =	ssyncset.done $0x0  }
0x75: {  	[sflag:s15] =	ssyncadd.s32 $0xFFFFFFE0  }
0x76: {  	v2 =	vld [tilespmem:$0x920];
	_ =	sdelay $0x1  }
0x77: {  	v3 =	vld [tilespmem:$0x930];
	_ =	sdelay $0x2  }
0x78: {  	vm12 =	vge.s32 v2, v0  }
0x79: {  	vm13 =	vlt.s32 v2, v1;
	v62 =	vand.u32 $0x7FF, v2;
	v2 =	vsub.s32 v2, v0  }
0x7a: {  	vm14 =	vge.s32 v3, v0;
	vm15 =	vlt.s32 v3, v1;
	v63 =	vand.u32 $0x7FF, v3  }
0x7b: {  	v3 =	vsub.s32 v3, v0;
	vm0 =	vmand vm12, vm13;
	v4 =	vadd.s32 $0xC350, v62  }
0x7c: {  	v2 =	vsel vm0, v2, v4;
	vm0 =	vmand vm14, vm15;
	v4 =	vadd.s32 $0xC350, v63  }
0x7d: {  	[tilespmem:$0x920] =	vst v2;
	v2 =	vsel vm0, v3, v4  }
0x7e: {  	[tilespmem:$0x930] =	vst v2  }
0x7f: {  	[tilespmem:s22], [sflag:$0x1] =	stream.indirect.gather [hbm4b:s5+s21], $0x10, s19, s21, $0xb8;
	[tilespmem:$0xD6C0] =	vst v63  }
0x80: {  	_ =	swait.ge [sflag:s18], $0x200  }
0x81: {  	[sflag:s18] =	ssyncset.done $0x0  }
0x82: {  	[sflag:s18] =	ssyncadd.s32 $0xFFFFFE00  }
0x83: {  	[spmem:s1] =	stream.indirect.scatter.add.f32 [tilespmem:s22], [sflag:$0x2], $0x10, s20, s21, $0xb8;
	[tilespmem:$0xD6C0] =	vst v63  }
0x84: {  	_ =	swait.ge [sflag:s15], $0x200  }
0x85: {  	[sflag:s15] =	ssyncset.done $0x0  }
0x86: {  	[sflag:s15] =	ssyncadd.s32 $0xFFFFFE00  }
0x87: {  	[bflag:$0x0] =	sbarrier.arrive $0xFFFF  }
0x88: {  	[bflag:$0x0] =	sbarrier.arrive $0xFFFF  }
0x89: {  	s26 =	simm.s32 @p0 $0x2;
	[bflag:$0x0] =	sbarrier.arrive $0xFFFF  }
0x8a: {  	[hbm:s10], [sflag:s6] =	dma.local @p0 [spmem:s23], $0x1900  }
0x8b: {  	s25 =	sadd.s32 $0x1, s25;
	_ =	swait.ge @p0 [sflag:s26], $0x1900  }
0x8c: {  	p1 =	sne.s32 s25, s11;
	[sflag:s26] =	ssyncset.done @p0 $0x0  }
.Ltmp1:
0x8d: {  	[sflag:s26] =	ssyncadd.s32 @p0 $0xFFFFE700;
	s26 =	simm.s32 @!p0 $0x2;
	(pc) =	sbr.rel @p1 .LBB2_1-.Ltmp1, $4  }
0x8e: {  	[hbm:s9], [sflag:s6] =	dma.local @!p0 [spmem:s24], $0x1860  }
0x8f: {  	_ =	swait.ge @!p0 [sflag:s26], $0x1860  }
0x90: {  	[sflag:s26] =	ssyncset.done @!p0 $0x0  }
0x91: {  	[sflag:s26] =	ssyncadd.s32 @!p0 $0xFFFFE7A0  }
0x92: {  	_ =	sfence.sel $0x180000  }
0x93: {  	[bflag:$0x0] =	sbarrier.arrive $0xFFFF  }
0x94: {  	p0 =	sne.s32 s3, $0x0;
	_ =	strace $0x90000047  }
0x95: {  	s0 =	sadd.s32 @!p0 $0x100000, s0;
	[bflag:$0x2] =	sbarrier.arrive $0xFFFF  }
0x96: {  	[sflag:s0] =	ssyncadd.tile.s32 @!p0 $0x1;
	_ =	shalt  }
.Lfunc_end2:
_tile_overlayer_lowered:
.L_overlay_start_2:
0x97: {  	(tag) =	ssettag $0x2  }
0x98: {  	s0 =	rddreg [dreg:$0x0];
	s2 =	stileid.u32  }
0x99: {  	s1 =	rddreg [dreg:$0x1];
	p0 =	sne.s32 s2, $0x0  }
0x9a: {  	s3 =	rddreg [dreg:$0x2];
	[bflag:$0x3] =	sbarrier.arrive $0xFFFF;
	s2 =	simm.s32 @!p0 $0x1C02  }
0x9b: {  	[timem:s3], [sflag:s2] =	dma.local @!p0 [hbm:s0], s1  }
0x9c: {  	s0 =	simm.s32 @!p0 $0x2  }
0x9d: {  	_ =	swait.ge @!p0 [sflag:s0], s1  }
0x9e: {  	s1 =	ssub.s32 @!p0 $0x0, s1;
	[sflag:s0] =	ssyncset.done @!p0 $0x0  }
0x9f: {  	[sflag:s0] =	ssyncadd.s32 @!p0 s1  }
0xa0: {  	[bflag:$0x3] =	sbarrier.arrive $0xFFFF  }
0xa1: {  	_ =	shalt  }

// kernel: kernel.9.cloned.1.call-start
scs
__scs_entry_jumppad:
0x0: {  	(pc) =	sbr.rel $0x88, $3  }
0x1: {  	(tag) =	ssettag $0x0;
	lr =	simm.s32 $0x1  }
0x2: {  	[smem:$0x3F92] =	sst lr;
	_ =	strace $0xD0000000  }
0x3: {  	_ = 	snop  }
0x4: {  	_ = 	snop  }
0x5: {  	_ = 	snop  }
0x6: {  	_ = 	snop  }
0x7: {  	_ = 	snop  }
__scs_overlays_trampoline_lowered:
0x8: {  	[smem:$0x3FA1] =	sst s0  }
0x9: {  	[smem:$0x3FA2] =	sst s1  }
0xa: {  	[smem:$0x3FA3] =	sst s2  }
0xb: {  	[smem:$0x3FA4] =	sst s3  }
0xc: {  	[smem:$0x3FA5] =	sst s4  }
0xd: {  	[smem:$0x3FA6] =	sst s5  }
0xe: {  	[smem:$0x3FA7] =	sst s6  }
0xf: {  	[smem:$0x3FA8] =	sst s7  }
0x10: {  	[smem:$0x3FA9] =	sst s8  }
0x11: {  	[smem:$0x3FAA] =	sst s9;
	s0 =	simm.s32 @!p0 $0x0  }
0x12: {  	s1 =	sld [smem:$0x3F90];
	s0 =	simm.s32 @p0 $0x1  }
0x13: {  	[smem:$0x3FAB] =	sst s0;
	s0 =	simm.s32 @!p1 $0x0  }
0x14: {  	s2 =	sld [smem:$0x3F8F];
	s0 =	simm.s32 @p1 $0x1  }
0x15: {  	[smem:$0x3FAC] =	sst s0;
	s0 =	simm.s32 @!p2 $0x0  }
0x16: {  	s3 =	sld [smem:$0x3FDB];
	s0 =	simm.s32 @p2 $0x1  }
0x17: {  	s4 =	simm.s32 $0x1BF5;
	[smem:$0x3FAE] =	sst s0  }
0x18: {  	s0 =	sld [smem:$0x3F91];
	_ =	swait.ge [sflag:s4], $0x0  }
0x19: {  	s7 =	sld [smem:$0x3F92]  }
0x1a: {  	s8 =	sadd.s32 $0xFFFFE003, lr  }
0x1b: {  	s9 =	sadd.s32 $0xFFFFFEF7, lr;
	s5 =	simm.s32 $0xFFFFFFFF;
	p2 =	slt.u32 s8, $0xFFFFF086  }
0x1c: {  	p1 =	slt.u32 s9, $0xF7A;
	s5 =	simm.s32 @!p2 $0x0  }
0x1d: {  	s5 =	simm.s32 @p1 $0x1;
	p0 =	seq.s32 s7, s2  }
0x1e: {  	s7 =	smul.u32 @!p0 $0xF7A, s2;
	p2 =	seq.s32 @!p0 s5, $0x0  }
0x1f: {  	s9 =	smul.u32 $0xF7A, s1;
	s8 =	simm.s32 @!p0 $0x1BF5;
	p2 =	por !p2, p0  }
0x20: {  	[sflag:s8] =	ssyncset.s32 @!p0 $0xFFFFF086;
	s6 =	sadd.s32 @!p0 s3, s7;
	s7 =	simm.s32 @!p0 $0x108  }
0x21: {  	s3 =	sadd.s32 s3, s9;
	s6 =	sadd.s32 @!p0 $0x88, s6;
	s7 =	simm.s32 @p2 $0x1082  }
0x22: {  	[simem:s7], [sflag:s8] =	dma.local @!p0 [hbm:s6], $0xF7A  }
0x23: {  	s9 =	sor.u32 $0xD0000000, s2;
	s6 =	simm.s32 $0x108;
	_ =	swait.ge @!p0 [sflag:s8], $0x0  }
0x24: {  	s3 =	sadd.s32 $0x88, s3;
	s6 =	simm.s32 @!p1 $0x1082;
	[sflag:s4] =	ssyncset.s32 $0xFFFFF086  }
0x25: {  	[simem:s6], [sflag:s4] =	dma.local [hbm:s3], $0xF7A  }
0x26: {  	[smem:$0x3F92] =	sst s1;
	(tag) =	ssettag s2;
	_ =	strace s9  }
0x27: {  	s1 =	sld [smem:$0x3FA2]  }
0x28: {  	s2 =	sld [smem:$0x3FA3]  }
0x29: {  	s4 =	sld [smem:$0x3FA5]  }
0x2a: {  	p0 =	seq.s32 s5, $0x0;
	s5 =	sld [smem:$0x3FA6]  }
0x2b: {  	s6 =	sld [smem:$0x3FA7]  }
0x2c: {  	s7 =	sld [smem:$0x3FA8]  }
0x2d: {  	s3 =	simm.s32 $0x108;
	s8 =	sld [smem:$0x3FA9]  }
0x2e: {  	s3 =	simm.s32 @!p0 $0x1082;
	s9 =	sld [smem:$0x3FAA]  }
0x2f: {  	lr =	sadd.s32 s0, s3;
	s0 =	sld [smem:$0x3FA1]  }
0x30: {  	s3 =	sld [smem:$0x3FA4]  }
0x31: {  	[smem:$0x3FAD] =	sst s10  }
0x32: {  	s10 =	sld [smem:$0x3FAB];
	_ =	sdelay $0x3  }
0x33: {  	p0 =	seq.s32 s10, $0x1;
	s10 =	sld [smem:$0x3FAD];
	_ =	sdelay $0x3  }
0x34: {  	[smem:$0x3FAD] =	sst s10  }
0x35: {  	s10 =	sld [smem:$0x3FAC];
	_ =	sdelay $0x3  }
0x36: {  	p1 =	seq.s32 s10, $0x1;
	s10 =	sld [smem:$0x3FAD];
	_ =	sdelay $0x3  }
0x37: {  	[smem:$0x3FAD] =	sst s10  }
0x38: {  	s10 =	sld [smem:$0x3FAE]  }
0x39: {  	_ = 	snop;
	(pc) =	sbr.ind lr, $3  }
0x3a: {  	_ = 	snop  }
0x3b: {  	_ = 	snop  }
0x3c: {  	p2 =	seq.s32 s10, $0x1;
	s10 =	sld [smem:$0x3FAD]  }
0x3d: {  	_ =	shalt  }
0x3e: {  	_ =	shalt  }
0x3f: {  	_ =	shalt  }
0x40: {  	_ =	shalt  }
0x41: {  	_ =	shalt  }
0x42: {  	_ =	shalt  }
0x43: {  	_ =	shalt  }
0x44: {  	_ =	shalt  }
0x45: {  	_ =	shalt  }
0x46: {  	_ =	shalt  }
0x47: {  	_ =	shalt  }
0x48: {  	_ =	shalt  }
0x49: {  	_ =	shalt  }
0x4a: {  	_ =	shalt  }
0x4b: {  	_ =	shalt  }
0x4c: {  	_ =	shalt  }
0x4d: {  	_ =	shalt  }
0x4e: {  	_ =	shalt  }
0x4f: {  	_ =	shalt  }
0x50: {  	_ =	shalt  }
0x51: {  	_ =	shalt  }
0x52: {  	_ =	shalt  }
0x53: {  	_ =	shalt  }
0x54: {  	_ =	shalt  }
0x55: {  	_ =	shalt  }
0x56: {  	_ =	shalt  }
0x57: {  	_ =	shalt  }
0x58: {  	_ =	shalt  }
0x59: {  	_ =	shalt  }
0x5a: {  	_ =	shalt  }
0x5b: {  	_ =	shalt  }
0x5c: {  	_ =	shalt  }
0x5d: {  	_ =	shalt  }
0x5e: {  	_ =	shalt  }
0x5f: {  	_ =	shalt  }
0x60: {  	_ =	shalt  }
0x61: {  	_ =	shalt  }
0x62: {  	_ =	shalt  }
0x63: {  	_ =	shalt  }
0x64: {  	_ =	shalt  }
0x65: {  	_ =	shalt  }
0x66: {  	_ =	shalt  }
0x67: {  	_ =	shalt  }
0x68: {  	_ =	shalt  }
0x69: {  	_ =	shalt  }
0x6a: {  	_ =	shalt  }
0x6b: {  	_ =	shalt  }
0x6c: {  	_ =	shalt  }
0x6d: {  	_ =	shalt  }
0x6e: {  	_ =	shalt  }
0x6f: {  	_ =	shalt  }
0x70: {  	_ =	shalt  }
0x71: {  	_ =	shalt  }
0x72: {  	_ =	shalt  }
0x73: {  	_ =	shalt  }
0x74: {  	_ =	shalt  }
0x75: {  	_ =	shalt  }
0x76: {  	_ =	shalt  }
0x77: {  	_ =	shalt  }
0x78: {  	_ =	shalt  }
0x79: {  	_ =	shalt  }
0x7a: {  	_ =	shalt  }
0x7b: {  	_ =	shalt  }
0x7c: {  	_ =	shalt  }
0x7d: {  	_ =	shalt  }
0x7e: {  	_ =	shalt  }
0x7f: {  	_ =	shalt  }
0x80: {  	_ =	shalt  }
0x81: {  	_ =	shalt  }
0x82: {  	_ =	shalt  }
0x83: {  	_ =	shalt  }
0x84: {  	_ =	shalt  }
0x85: {  	_ =	shalt  }
0x86: {  	_ =	shalt  }
0x87: {  	_ =	shalt  }
.Lfunc_end0:
.L_simem_size_0:
called_computation.1_lowered:
.L_overlay_start_0:
0x88: {  	s2 =	sld [smem:$0x3FD9]  }
0x89: {  	s3 =	sld [smem:$0x3FFE];
	_ =	sdelay $0x1  }
0x8a: {  	s1 =	srdreg.scid  }
0x8b: {  	s0 =	sand.u32 $0x1, s1  }
0x8c: {  	s16 =	sshll.u32 s0, $0xA;
	s2 =	sadd.s32 s3, s2  }
0x8d: {  	s2 =	sadd.s32 s2, s16  }
0x8e: {  	[smem:$0x3FB9] =	sst s2  }
0x8f: {  	_ = 	snop  }
0x90: {  	(tm) =	ssettm $0x1  }
0x91: {  	s17 =	sld [smem:$0x3FFB];
	_ =	sdelay $0x3  }
0x92: {  	_ =	strace s17  }
0x93: {  	s2 =	sld [smem:$0x3FFC];
	_ =	sdelay $0x3  }
0x94: {  	_ =	strace s2  }
0x95: {  	s2 =	sld [smem:$0x3FFD];
	_ =	sdelay $0x3  }
0x96: {  	_ =	strace s2  }
0x97: {  	_ =	strace $0x8FFFFFFF  }
0x98: {  	s18 =	sld [smem:$0x3FDB];
	_ =	sdelay $0x1  }
0x99: {  	s19 =	simm.s32 $_scs_section_size  }
0x9a: {  	s4 =	simm.s32 $_size__tile_overlayer_lowered;
	s5 =	simm.s32 $_tile_overlayer_lowered  }
0x9b: {  	s22 =	simm.s32 $0x1BFF;
	s21 =	sshll.u32 s5, $0x1;
	s2 =	sadd.s32 s19, s18  }
0x9c: {  	s6 =	simm.s32 $0x0;
	s20 =	sshll.u32 s4, $0x1;
	s4 =	sadd.s32 s21, s2  }
0x9d: {  	[timem:s6], [sflag:s22] =	dma.local [hbm:s4], s20  }
0x9e: {  	_ =	swait.ge [sflag:s22], s20  }
0x9f: {  	s3 =	ssub.s32 $0x0, s20;
	[sflag:s22] =	ssyncset.done $0x0  }
0xa0: {  	[sflag:s22] =	ssyncadd.s32 s3;
	_ =	sdelay $0x1  }
0xa1: {  	s23 =	simm.s32 $0x1B8B  }
0xa2: {  	_ =	swait.ge [sflag:s23], $0x1  }
0xa3: {  	[sflag:s23] =	ssyncset.done $0x0  }
0xa4: {  	s25 =	simm.s32 $0x1B8E;
	s24 =	sld [smem:$0x3FFE];
	[sflag:s23] =	ssyncadd.s32 $0xFFFFFFFF  }
0xa5: {  	s26 =	simm.s32 $execute0_lowered;
	[smem:$0x3FD2] =	sst s25  }
0xa6: {  	s4 =	sshll.u32 s26, $0x1;
	_ =	strace $0x80000049;
	[dreg:$0x1] =	wrdreg $0xFFFFFFFF  }
0xa7: {  	s28 =	simm.s32 $_size_execute0_lowered;
	s2 =	sadd.s32 s2, s4;
	[dreg:$0x0] =	wrdreg $0x0  }
0xa8: {  	s4 =	sshll.u32 s28, $0x1;
	[dreg:$0x2] =	wrdreg s2  }
0xa9: {  	[dreg:$0x3] =	wrdreg s4  }
0xaa: {  	[dreg:$0x4] =	wrdreg $0xC0  }
0xab: {  	_ =	task [dreg:s6], $0x5FFFF  }
0xac: {  	[dreg:$0x1] =	wrdreg $0xFFFFFFFF  }
0xad: {  	[dreg:$0x0] =	wrdreg $0x60  }
0xae: {  	[dreg:$0x2] =	wrdreg s24  }
0xaf: {  	[dreg:$0x3] =	wrdreg $0x15400  }
0xb0: {  	[dreg:$0x4] =	wrdreg $0x9  }
0xb1: {  	_ =	task.clear_ibuf [dreg:s6], $0x5FFFF;
	_ =	strace $0x90000049  }
0xb2: {  	s29 =	simm.s32 $0x9;
	_ =	strace $0x8000004B  }
0xb3: {  	_ =	swait.ge [sflag:s29], $0x1  }
0xb4: {  	[sflag:s29] =	ssyncadd.s32 $0xFFFFFFFF  }
0xb5: {  	_ =	strace $0x9000004B  }
0xb6: {  	_ =	sfence  }
0xb7: {  	s30 =	sld [smem:$0x0];
	_ =	sdelay $0x2  }
0xb8: {  	s31 =	sshll.u32 s1, $0xD;
	s1 =	sshrl.u32 s1, $0x2  }
0xb9: {  	s3 =	sand.u32 $0x4000, s31;
	s1 =	sadd.s32 s1, s30  }
0xba: {  	s0 =	sor.u32 s3, s0;
	s1 =	sshll.u32 s1, $0x11  }
0xbb: {  	s0 =	sor.u32 s1, s0  }
0xbc: {  	s0 =	sadd.s32 $0x8F2B, s0  }
0xbd: {  	[sflag:s0] =	ssyncadd.remote.s32 $0x1  }
0xbe: {  	_ =	sfence.sel $0xFFFF  }
0xbf: {  	[dreg:$0x0] =	wrdreg $0xFFFFFFFF;
	(pc) =	sbr.abs _section_cstart, $3  }
0xc0: {  	[dreg:$0x1] =	wrdreg $0xFFFFFFFF  }
0xc1: {  	_ =	task.clear_ibuf [dreg:s6], $0x2FFFF;
	_ =	strace $0x9FFFFFFF  }
0xc2: {  	(tm) =	ssettm $0x7FFFFFFF  }
0xc3: {  	_ =	shalt  }
tec
execute0_lowered:
.L_overlay_start_1:
0x0: {  	(tag) =	ssettag $0x1  }
0x1: {  	s6 =	rddreg [dreg:$0x0];
	s3 =	srdreg.scid  }
0x2: {  	s1 =	rddreg [dreg:$0x1];
	s7 =	sand.u32 $0x1, s3;
	s3 =	stileid.u32  }
0x3: {  	s0 =	rddreg [dreg:$0x2];
	s10 =	smul.u32 $0x65C00, s3  }
0x4: {  	s2 =	simm.s32 $0x0;
	s19 =	simm.s32 $0x1100;
	s23 =	smul.u32 $0xC350, s7  }
0x5: {  	[smem:$0x7FF] =	sst s2;
	s4 =	sadd.s32 $0xC4E00, s6;
	s22 =	smul.u32 $0x186A0, s3  }
0x6: {  	s5 =	sadd.s32 $0x63200, s6;
	s13 =	sadd.s32 $0x32400, s6;
	s25 =	smul.u32 $0xC30, s3  }
0x7: {  	s12 =	sadd.s32 $0x1600, s6;
	s11 =	sadd.s32 $0xC8200, s6;
	s26 =	smul.u32 $0x61800, s3  }
0x8: {  	s18 =	simm.s32 $0x1;
	_ =	strace $0x8000004A;
	s17 =	smul.u32 $0x186A00, s7  }
0x9: {  	s8 =	ssub.s32 $0x2, s7;
	s21 =	sshll.u32 s3, $0x6;
	s31 =	smul.u32 $0x30D4, s3  }
0xa: {  	p0 =	seq.s32 s3, $0xF;
	s9 =	sshrl.u32 s8, $0x1;
	s6 =	sor.u32 $0x1C02, s21  }
0xb: {  	s21 =	simm.s32 $0x20;
	s14 =	ssub.s32 s8, s9;
	s20 =	sshrl.u32 s10, $0x2  }
0xc: {  	s24 =	sadd.s32 $0xC350, s23;
	s9 =	sshrl.u32 s22, $0x3;
	s16 =	sadd.s32 s25, s23  }
0xd: {  	s10 =	sshrl.u32 s26, $0x2;
	s29 =	sshrl.u32 s17, $0x3;
	s26 =	sadd.s32 $0x16DA00, s1  }
0xe: {  	s17 =	simm.s32 $0x100;
	s22 =	simm.s32 $0x1140;
	s15 =	sadd.s32 s20, s1  }
0xf: {  	s9 =	sadd.s32 $0x30D0, s9;
	s28 =	sshll.u32 s16, $0x2;
	s25 =	sadd.s32 s10, s1  }
0x10: {  	s30 =	sadd.s32 s11, s29;
	s16 =	simm.s32 $0x80;
	s20 =	simm.s32 $0x1120  }
0x11: {  	v0 =	vmov s23;
	s23 =	sshrl.u32 @p0 s26, $0x3;
	s7 =	sadd.s32 s13, s9;
	s8 =	sadd.s32 s12, s9  }
0x12: {  	s9 =	sadd.s32 s11, s28;
	s10 =	sadd.s32 $0x2DB40, s30;
	s11 =	smax.u32 s14, $0x1  }
0x13: {  	s12 =	sadd.s32 s31, s12;
	s13 =	sadd.s32 s31, s13;
	s14 =	sshrl.u32 s15, $0x3  }
0x14: {  	v1 =	vmov s24;
	s15 =	simm.s32 $0x2;
	s24 =	sshrl.u32 @!p0 s25, $0x3;
	s25 =	simm.s32 $0x0  }
.LBB2_1:
0x15: {  	[spmem:s14], [sflag:s6] =	dma.local [hbm:s4], $0x32E0  }
0x16: {  	_ =	swait.ge [sflag:s15], $0x32E0  }
0x17: {  	[sflag:s15] =	ssyncset.done $0x0  }
0x18: {  	[sflag:s15] =	ssyncadd.s32 $0xFFFFCD20  }
0x19: {  	s26 =	sadd.s32 $0x0, s13;
	[bflag:$0x0] =	sbarrier.arrive $0xFFFF  }
0x1a: {  	[tilespmem:s2], [sflag:$0x2] =	stream.linear.gather [hbm4b:s26+s2], $0x80, $0x38;
	[tilespmem:$0x1AC40] =	vst v63  }
0x1b: {  	_ =	swait.ge [sflag:s15], $0x80  }
0x1c: {  	[sflag:s15] =	ssyncset.done $0x0  }
0x1d: {  	s31 =	sadd.s32 $0x0, s12;
	[sflag:s15] =	ssyncadd.s32 $0xFFFFFF80  }
0x1e: {  	[tilespmem:s16], [sflag:$0x2] =	stream.linear.gather [hbm4b:s31+s2], $0x80, $0x38;
	[tilespmem:$0x1AC40] =	vst v63  }
0x1f: {  	_ =	swait.ge [sflag:s15], $0x80  }
0x20: {  	[sflag:s15] =	ssyncset.done $0x0  }
0x21: {  	[sflag:s15] =	ssyncadd.s32 $0xFFFFFF80  }
0x22: {  	v2 =	vld [tilespmem:$0xE0]  }
0x23: {  	v3 =	vld [tilespmem:$0x80]  }
0x24: {  	v5 =	vld [tilespmem:$0xA0]  }
0x25: {  	v13 =	vld [tilespmem:$0xB0]  }
0x26: {  	v8 =	vld [tilespmem:$0xC0]  }
0x27: {  	v11 =	vld [tilespmem:$0xF0];
	vm0 =	vge.s32 v2, v0  }
0x28: {  	vm1 =	vlt.s32 v2, v1;
	v4 =	vand.u32 $0x7FF, v2;
	v6 =	vsub.s32 v2, v0  }
0x29: {  	v2 =	vsub.s32 v3, v0;
	vm0 =	vmand vm0, vm1;
	v4 =	vadd.s32 $0xC350, v4  }
0x2a: {  	v7 =	vsub.s32 v5, v0;
	v14 =	vsel vm0, v6, v4;
	v4 =	vand.u32 $0x7FF, v3  }
0x2b: {  	v10 =	vsub.s32 v13, v0;
	vm2 =	vge.s32 v3, v0;
	v6 =	vadd.s32 $0xC350, v4;
	v4 =	vld [tilespmem:$0xD0]  }
0x2c: {  	v12 =	vsub.s32 v8, v0;
	vm3 =	vge.s32 v13, v0;
	v9 =	vsub.s32 v11, v0  }
0x2d: {  	vm4 =	vlt.s32 v13, v1;
	v15 =	vand.u32 $0x7FF, v11;
	vm0 =	vlt.s32 v3, v1  }
0x2e: {  	vm1 =	vlt.s32 v8, v1;
	vm3 =	vmand vm3, vm4;
	vm0 =	vmand vm2, vm0  }
0x2f: {  	s26 =	simm.s32 $0x10;
	v3 =	vld [tilespmem:$0x90];
	vm2 =	vge.s32 v5, v0;
	[tilespmem:$0xE0] =	vst v14;
	v14 =	vand.u32 $0x7FF, v13;
	v13 =	vadd.s32 $0xC350, v15  }
.LBB2_2:
0x30: {  	p1 =	sne.s32 s26, $0x30C0;
	vm4 =	vlt.s32 v5, v1;
	vm5 =	vge.s32 v4, v0;
	vm6 =	vlt.s32 v11, v1;
	s28 =	smov.u32 s26;
	s26 =	sadd.s32 $0x10, s26  }
0x31: {  	vm7 =	vge.s32 v8, v0;
	v8 =	vand.u32 $0x7FF, v8;
	vm8 =	vge.s32 v11, v0  }
0x32: {  	v5 =	vand.u32 $0x7FF, v5;
	v11 =	vand.u32 $0x7FF, v4;
	v8 =	vadd.s32 $0xC350, v8  }
0x33: {  	v14 =	vadd.s32 $0xC350, v14;
	v5 =	vadd.s32 $0xC350, v5;
	vm1 =	vmand vm7, vm1  }
0x34: {  	vm2 =	vmand vm2, vm4;
	v10 =	vsel vm3, v10, v14;
	v11 =	vadd.s32 $0xC350, v11  }
0x35: {  	v5 =	vsel vm2, v7, v5;
	v7 =	vsel vm1, v12, v8;
	vm1 =	vlt.s32 v4, v1;
	[tilespmem:$0xB0] =	vst v10  }
0x36: {  	v4 =	vsub.s32 v4, v0;
	vm2 =	vmand vm8, vm6;
	vm1 =	vmand vm5, vm1;
	[tilespmem:$0xC0] =	vst v7  }
0x37: {  	v2 =	vsel vm0, v2, v6;
	v4 =	vsel vm1, v4, v11;
	[tilespmem:$0xA0] =	vst v5;
	v5 =	vsel vm2, v9, v13  }
0x38: {  	vm0 =	vge.s32 v3, v0;
	v6 =	vand.u32 $0x7FF, v3;
	vm1 =	vlt.s32 v3, v1;
	[tilespmem:$0xD0] =	vst v4  }
0x39: {  	v3 =	vsub.s32 v3, v0;
	vm0 =	vmand vm0, vm1;
	v4 =	vadd.s32 $0xC350, v6;
	[tilespmem:$0xF0] =	vst v5  }
0x3a: {  	[tilespmem:$0x80] =	vst v2;
	v2 =	vsel vm0, v3, v4  }
0x3b: {  	[tilespmem:$0x90] =	vst v2  }
0x3c: {  	[tilespmem:s17], [sflag:$0x1] =	stream.indirect.gather [hbm4b:s5+s16], $0x20, s2, s16, $0xb8;
	[tilespmem:$0x1AC40] =	vst v63  }
0x3d: {  	_ =	swait.ge [sflag:s18], $0x1000  }
0x3e: {  	[sflag:s18] =	ssyncset.done $0x0  }
0x3f: {  	[sflag:s18] =	ssyncadd.s32 $0xFFFFF000  }
0x40: {  	[spmem:s1] =	stream.indirect.scatter.add.f32 [tilespmem:s17], [sflag:$0x2], $0x20, s16, s16, $0xb8;
	[tilespmem:$0x1AC40] =	vst v63  }
0x41: {  	s29 =	sadd.s32 s28, s13;
	_ =	swait.ge [sflag:s15], $0x1000  }
0x42: {  	[sflag:s15] =	ssyncset.done $0x0  }
0x43: {  	[sflag:s15] =	ssyncadd.s32 $0xFFFFF000  }
0x44: {  	[tilespmem:s2], [sflag:$0x2] =	stream.linear.gather [hbm4b:s29+s2], $0x80, $0x38;
	[tilespmem:$0x1AC40] =	vst v63  }
0x45: {  	_ =	swait.ge [sflag:s15], $0x80  }
0x46: {  	[sflag:s15] =	ssyncset.done $0x0  }
0x47: {  	s28 =	sadd.s32 s28, s12;
	[sflag:s15] =	ssyncadd.s32 $0xFFFFFF80  }
0x48: {  	[tilespmem:s16], [sflag:$0x2] =	stream.linear.gather [hbm4b:s28+s2], $0x80, $0x38;
	[tilespmem:$0x1AC40] =	vst v63  }
0x49: {  	_ =	swait.ge [sflag:s15], $0x80  }
0x4a: {  	[sflag:s15] =	ssyncset.done $0x0  }
0x4b: {  	[sflag:s15] =	ssyncadd.s32 $0xFFFFFF80  }
0x4c: {  	v2 =	vld [tilespmem:$0xE0]  }
0x4d: {  	v5 =	vld [tilespmem:$0xA0]  }
0x4e: {  	v9 =	vld [tilespmem:$0x80]  }
0x4f: {  	v13 =	vld [tilespmem:$0xB0]  }
0x50: {  	v8 =	vld [tilespmem:$0xC0]  }
0x51: {  	v4 =	vld [tilespmem:$0xD0];
	vm0 =	vge.s32 v2, v0;
	vm1 =	vlt.s32 v2, v1;
	v3 =	vand.u32 $0x7FF, v2  }
0x52: {  	v6 =	vsub.s32 v2, v0;
	vm0 =	vmand vm0, vm1;
	v10 =	vadd.s32 $0xC350, v3;
	v11 =	vld [tilespmem:$0xF0]  }
0x53: {  	v7 =	vsub.s32 v5, v0;
	v2 =	vsub.s32 v9, v0;
	v3 =	vld [tilespmem:$0x90];
	v6 =	vsel vm0, v6, v10  }
0x54: {  	vm0 =	vlt.s32 v9, v1;
	v12 =	vand.u32 $0x7FF, v9;
	v10 =	vsub.s32 v13, v0;
	[tilespmem:$0xE0] =	vst v6  }
.Ltmp0:
0x55: {  	v6 =	vadd.s32 $0xC350, v12;
	vm1 =	vlt.s32 v8, v1;
	(pc) =	sbr.rel @p1 .LBB2_2-.Ltmp0, $4  }
0x56: {  	vm2 =	vge.s32 v9, v0;
	v12 =	vsub.s32 v8, v0  }
0x57: {  	vm0 =	vmand vm2, vm0;
	vm3 =	vge.s32 v13, v0;
	v9 =	vsub.s32 v11, v0  }
0x58: {  	vm2 =	vge.s32 v5, v0;
	vm4 =	vlt.s32 v13, v1;
	v15 =	vand.u32 $0x7FF, v11  }
0x59: {  	v14 =	vand.u32 $0x7FF, v13;
	vm3 =	vmand vm3, vm4;
	v13 =	vadd.s32 $0xC350, v15  }
0x5a: {  	vm4 =	vlt.s32 v5, v1;
	vm5 =	vge.s32 v4, v0;
	vm6 =	vlt.s32 v11, v1  }
0x5b: {  	vm7 =	vge.s32 v8, v0;
	v54 =	vand.u32 $0x7FF, v8;
	vm8 =	vge.s32 v11, v0  }
0x5c: {  	v55 =	vand.u32 $0x7FF, v5;
	v56 =	vand.u32 $0x7FF, v4;
	v14 =	vadd.s32 $0xC350, v14  }
0x5d: {  	v58 =	vsub.s32 v4, v0;
	v2 =	vsel vm0, v2, v6;
	vm10 =	vge.s32 v3, v0  }
0x5e: {  	vm11 =	vlt.s32 v3, v1;
	v60 =	vand.u32 $0x7FF, v3;
	v3 =	vsub.s32 v3, v0  }
0x5f: {  	v8 =	vadd.s32 $0xC350, v54;
	vm1 =	vmand vm7, vm1;
	v10 =	vsel vm3, v10, v14;
	[tilespmem:$0x80] =	vst v2  }
0x60: {  	v5 =	vadd.s32 $0xC350, v55;
	vm2 =	vmand vm2, vm4;
	[tilespmem:$0xB0] =	vst v10;
	v57 =	vsel vm1, v12, v8  }
0x61: {  	vm7 =	vlt.s32 v4, v1;
	vm9 =	vmand vm8, vm6;
	v5 =	vsel vm2, v7, v5;
	[tilespmem:$0xC0] =	vst v57  }
0x62: {  	vm0 =	vmand vm10, vm11;
	v61 =	vadd.s32 $0xC350, v60;
	v59 =	vsel vm9, v9, v13;
	[tilespmem:$0xA0] =	vst v5  }
0x63: {  	v11 =	vadd.s32 $0xC350, v56;
	vm1 =	vmand vm5, vm7;
	v2 =	vsel vm0, v3, v61;
	[tilespmem:$0xF0] =	vst v59  }
0x64: {  	v4 =	vsel vm1, v58, v11;
	[tilespmem:$0x90] =	vst v2  }
0x65: {  	[tilespmem:$0xD0] =	vst v4  }
0x66: {  	[tilespmem:s17], [sflag:$0x1] =	stream.indirect.gather [hbm4b:s5+s16], $0x20, s2, s16, $0xb8;
	[tilespmem:$0x1AC40] =	vst v63  }
0x67: {  	_ =	swait.ge [sflag:s18], $0x1000  }
0x68: {  	[sflag:s18] =	ssyncset.done $0x0  }
0x69: {  	[sflag:s18] =	ssyncadd.s32 $0xFFFFF000  }
0x6a: {  	[spmem:s1] =	stream.indirect.scatter.add.f32 [tilespmem:s17], [sflag:$0x2], $0x20, s16, s16, $0xb8;
	[tilespmem:$0x1AC40] =	vst v63  }
0x6b: {  	_ =	swait.ge [sflag:s15], $0x1000  }
0x6c: {  	[sflag:s15] =	ssyncset.done $0x0  }
0x6d: {  	[sflag:s15] =	ssyncadd.s32 $0xFFFFF000  }
0x6e: {  	[tilespmem:s19], [sflag:$0x2] =	stream.linear.gather [hbm4b:s7+s2], $0x20, $0x38;
	[tilespmem:$0x1AC40] =	vst v63  }
0x6f: {  	_ =	swait.ge [sflag:s15], $0x20  }
0x70: {  	[sflag:s15] =	ssyncset.done $0x0  }
0x71: {  	[sflag:s15] =	ssyncadd.s32 $0xFFFFFFE0  }
0x72: {  	[tilespmem:s20], [sflag:$0x2] =	stream.linear.gather [hbm4b:s8+s2], $0x20, $0x38;
	[tilespmem:$0x1AC40] =	vst v63  }
0x73: {  	_ =	swait.ge [sflag:s15], $0x20  }
0x74: {  	[sflag:s15] =	ssyncset.done $0x0  }
0x75: {  	[sflag:s15] =	ssyncadd.s32 $0xFFFFFFE0  }
0x76: {  	v2 =	vld [tilespmem:$0x1120];
	_ =	sdelay $0x1  }
0x77: {  	v3 =	vld [tilespmem:$0x1130];
	_ =	sdelay $0x2  }
0x78: {  	vm12 =	vge.s32 v2, v0  }
0x79: {  	vm13 =	vlt.s32 v2, v1;
	v62 =	vand.u32 $0x7FF, v2;
	v2 =	vsub.s32 v2, v0  }
0x7a: {  	vm14 =	vge.s32 v3, v0;
	vm15 =	vlt.s32 v3, v1;
	v63 =	vand.u32 $0x7FF, v3  }
0x7b: {  	v3 =	vsub.s32 v3, v0;
	vm0 =	vmand vm12, vm13;
	v4 =	vadd.s32 $0xC350, v62  }
0x7c: {  	v2 =	vsel vm0, v2, v4;
	vm0 =	vmand vm14, vm15;
	v4 =	vadd.s32 $0xC350, v63  }
0x7d: {  	[tilespmem:$0x1120] =	vst v2;
	v2 =	vsel vm0, v3, v4  }
0x7e: {  	[tilespmem:$0x1130] =	vst v2  }
0x7f: {  	[tilespmem:s22], [sflag:$0x1] =	stream.indirect.gather [hbm4b:s5+s21], $0x20, s19, s21, $0xb8;
	[tilespmem:$0x1AC40] =	vst v63  }
0x80: {  	_ =	swait.ge [sflag:s18], $0x400  }
0x81: {  	[sflag:s18] =	ssyncset.done $0x0  }
0x82: {  	[sflag:s18] =	ssyncadd.s32 $0xFFFFFC00  }
0x83: {  	[spmem:s1] =	stream.indirect.scatter.add.f32 [tilespmem:s22], [sflag:$0x2], $0x20, s20, s21, $0xb8;
	[tilespmem:$0x1AC40] =	vst v63  }
0x84: {  	_ =	swait.ge [sflag:s15], $0x400  }
0x85: {  	[sflag:s15] =	ssyncset.done $0x0  }
0x86: {  	[sflag:s15] =	ssyncadd.s32 $0xFFFFFC00  }
0x87: {  	[bflag:$0x0] =	sbarrier.arrive $0xFFFF  }
0x88: {  	[bflag:$0x0] =	sbarrier.arrive $0xFFFF  }
0x89: {  	s26 =	simm.s32 @p0 $0x2;
	[bflag:$0x0] =	sbarrier.arrive $0xFFFF  }
0x8a: {  	[hbm:s10], [sflag:s6] =	dma.local @p0 [spmem:s23], $0x3200  }
0x8b: {  	s25 =	sadd.s32 $0x1, s25;
	_ =	swait.ge @p0 [sflag:s26], $0x3200  }
0x8c: {  	p1 =	sne.s32 s25, s11;
	[sflag:s26] =	ssyncset.done @p0 $0x0  }
.Ltmp1:
0x8d: {  	[sflag:s26] =	ssyncadd.s32 @p0 $0xFFFFCE00;
	s26 =	simm.s32 @!p0 $0x2;
	(pc) =	sbr.rel @p1 .LBB2_1-.Ltmp1, $4  }
0x8e: {  	[hbm:s9], [sflag:s6] =	dma.local @!p0 [spmem:s24], $0x30C0  }
0x8f: {  	_ =	swait.ge @!p0 [sflag:s26], $0x30C0  }
0x90: {  	[sflag:s26] =	ssyncset.done @!p0 $0x0  }
0x91: {  	[sflag:s26] =	ssyncadd.s32 @!p0 $0xFFFFCF40  }
0x92: {  	_ =	sfence.sel $0x180000  }
0x93: {  	[bflag:$0x0] =	sbarrier.arrive $0xFFFF  }
0x94: {  	p0 =	sne.s32 s3, $0x0;
	_ =	strace $0x9000004A  }
0x95: {  	s0 =	sadd.s32 @!p0 $0x100000, s0;
	[bflag:$0x2] =	sbarrier.arrive $0xFFFF  }
0x96: {  	[sflag:s0] =	ssyncadd.tile.s32 @!p0 $0x1;
	_ =	shalt  }
.Lfunc_end2:
_tile_overlayer_lowered:
.L_overlay_start_2:
0x97: {  	(tag) =	ssettag $0x2  }
0x98: {  	s0 =	rddreg [dreg:$0x0];
	s2 =	stileid.u32  }
0x99: {  	s1 =	rddreg [dreg:$0x1];
	p0 =	sne.s32 s2, $0x0  }
0x9a: {  	s3 =	rddreg [dreg:$0x2];
	[bflag:$0x3] =	sbarrier.arrive $0xFFFF;
	s2 =	simm.s32 @!p0 $0x1C02  }
0x9b: {  	[timem:s3], [sflag:s2] =	dma.local @!p0 [hbm:s0], s1  }
0x9c: {  	s0 =	simm.s32 @!p0 $0x2  }
0x9d: {  	_ =	swait.ge @!p0 [sflag:s0], s1  }
0x9e: {  	s1 =	ssub.s32 @!p0 $0x0, s1;
	[sflag:s0] =	ssyncset.done @!p0 $0x0  }
0x9f: {  	[sflag:s0] =	ssyncadd.s32 @!p0 s1  }
0xa0: {  	[bflag:$0x3] =	sbarrier.arrive $0xFFFF  }
0xa1: {  	_ =	shalt  }

</sc_bundles>
